<compile_context>
chip_gen: v7x
topology: tpu7x:2x2x1
jax: 0.10.2.dev20260603
libtpu: 0.0.44.dev20260713+nightly
codegen_flags: <defaults>
</compile_context>

<pallas_src>
import functools

import jax
import jax.numpy as jnp
from jax import lax
from jax.experimental import pallas as pl
from jax.experimental.pallas import tpu as pltpu
import jax.experimental.pallas.tpu_sc as plsc

B = 2048
D = 768
E = 16
A = 2 * B
NW = 32
SPW = A // NW
M = 256
BLK = 256
NB = B // BLK
HB = B // 2

_F32 = jnp.float32
_BF16 = jnp.bfloat16
_I32 = jnp.int32


def _gate_body(x_ref, gamma_ref, beta_ref, keys_ref,
               code_ref, cnt_ref, wb_ref, cnts_s):
    i = pl.program_id(0)
    x = x_ref[...]
    mu = jnp.mean(x, axis=-1, keepdims=True)
    xc = x - mu
    var = jnp.mean(xc * xc, axis=-1, keepdims=True)
    xln = xc / jnp.sqrt(var + 1e-5) * gamma_ref[...] + beta_ref[...]
    keys = keys_ref[...]
    knorm = jnp.sqrt(jnp.sum(keys * keys, axis=-1, keepdims=True))
    keysn = keys / jnp.maximum(knorm, 1e-12)
    logits = lax.dot_general(
        xln.astype(_BF16), keysn.astype(_BF16), (((1,), (0,)), ((), ())),
        preferred_element_type=_F32)
    idx = lax.broadcasted_iota(_I32, (BLK, E), 1)
    l1 = jnp.max(logits, axis=-1, keepdims=True)
    a1 = jnp.min(jnp.where(logits == l1, idx, E), axis=-1, keepdims=True)
    masked = jnp.where(idx == a1, -jnp.inf, logits)
    l2 = jnp.max(masked, axis=-1, keepdims=True)
    a2 = jnp.min(jnp.where(masked == l2, idx, E), axis=-1, keepdims=True)
    e2 = jnp.exp(l2 - l1)
    denom = 1.0 + e2
    w1 = 1.0 / denom
    w2 = e2 / denom

    oh1 = (idx == a1).astype(_F32)
    oh2 = (idx == a2).astype(_F32)
    ohf = jnp.concatenate([oh1, oh2], axis=0)
    ri = lax.broadcasted_iota(_I32, (2 * BLK, 2 * BLK), 0)
    ci = lax.broadcasted_iota(_I32, (2 * BLK, 2 * BLK), 1)
    tri = (ci < ri).astype(_BF16)
    pre = lax.dot_general(tri, ohf.astype(_BF16), (((1,), (0,)), ((), ())),
                          preferred_element_type=_F32)

    @pl.when(i == 0)
    def _init():
        cnts_s[...] = jnp.zeros((1, E), _F32)

    base = cnts_s[...]
    rank = jnp.sum(ohf * (pre + base), axis=-1, keepdims=True)
    cnts_s[...] = base + jnp.sum(ohf, axis=0, keepdims=True)

    eid = jnp.concatenate([a1, a2], axis=0)
    code = eid * 4096 + rank.astype(_I32)
    code_ref[...] = code.reshape(2, BLK, 1)
    wb_ref[...] = jnp.concatenate([w1, w2], axis=0).reshape(2, BLK, 1)
    cnt_ref[...] = cnts_s[...].astype(_I32)


def _gate(x, gamma2, beta2, keys):
    return pl.pallas_call(
        _gate_body,
        grid=(NB,),
        in_specs=[
            pl.BlockSpec((BLK, D), lambda i: (i, 0)),
            pl.BlockSpec((1, D), lambda i: (0, 0)),
            pl.BlockSpec((1, D), lambda i: (0, 0)),
            pl.BlockSpec((D, E), lambda i: (0, 0)),
        ],
        out_specs=[
            pl.BlockSpec((2, BLK, 1), lambda i: (0, i, 0)),
            pl.BlockSpec((1, E), lambda i: (0, 0)),
            pl.BlockSpec((2, BLK, 1), lambda i: (0, i, 0)),
        ],
        out_shape=[
            jax.ShapeDtypeStruct((2, B, 1), _I32),
            jax.ShapeDtypeStruct((1, E), _I32),
            jax.ShapeDtypeStruct((2, B, 1), _F32),
        ],
        scratch_shapes=[pltpu.VMEM((1, E), _F32)],
        compiler_params=pltpu.CompilerParams(
            dimension_semantics=("arbitrary",)),
    )(x, gamma2, beta2, keys)


def _sc_mesh():
    return plsc.VectorSubcoreMesh(
        core_axis_name="c", subcore_axis_name="s",
        num_cores=2, num_subcores=16)


def _sort_gather(code_flat, cnt2, x):
    @functools.partial(
        pl.kernel,
        out_type=[
            jax.ShapeDtypeStruct((A, D), _F32),
            jax.ShapeDtypeStruct((2, B, 1), _I32),
        ],
        mesh=_sc_mesh(),
        scratch_types=[
            pltpu.VMEM((1, E), _I32),
            pltpu.VMEM((E,), _F32),
            pltpu.VMEM((A,), _I32),
            pltpu.VMEM((SPW,), _I32),
            pltpu.VMEM((SPW, 1), _I32),
            pltpu.VMEM((SPW, D), _F32),
            pltpu.SemaphoreType.DMA,
        ],
        compiler_params=pltpu.CompilerParams(needs_layout_passes=False),
    )
    def k2(code_hbm, cnt_hbm, x_hbm, xg_hbm, slotb_hbm,
           cnt_v, off_v, code_v, src_v, sl_v, rows_v, sem):
        wid = lax.axis_index("s") * 2 + lax.axis_index("c")
        base = wid * SPW
        pltpu.sync_copy(cnt_hbm, cnt_v)
        pltpu.sync_copy(code_hbm, code_v)

        cf = cnt_v[0].astype(_F32)
        lane = lax.iota(_I32, 16)
        v = cf
        for sh in (1, 2, 4, 8):
            off_v[...] = v
            pidx = lane - sh
            g = plsc.load_gather(off_v, [jnp.maximum(pidx, 0)])
            v = v + jnp.where(pidx >= 0, g, 0.0)
        off_v[...] = v - cf

        zero16 = lane * 0

        def my_slot(j, carry):
            ca = wid * (SPW // 16) + j
            cv = code_v[pl.ds(ca * 16, 16)]
            offg = plsc.load_gather(off_v, [cv >> 12]).astype(_I32)
            plsc.store_scatter(sl_v, [j * 16 + lane, zero16],
                               offg + (cv & 4095))
            return carry

        lax.fori_loop(0, SPW // 16, my_slot, 0)

        def inv(cc, carry):
            for u in range(4):
                ci = cc * 4 + u
                cv = code_v[pl.ds(ci * 16, 16)]
                offg = plsc.load_gather(off_v, [cv >> 12]).astype(_I32)
                slotv = offg + (cv & 4095)
                tv = (ci * 16 + lane) & (B - 1)
                lm = slotv - base
                msk = (lm >= 0) & (lm < SPW)
                lmc = jnp.clip(lm, 0, SPW - 1)
                plsc.store_scatter(src_v, [lmc], tv, mask=msk)
            return carry

        lax.fori_loop(0, A // 64, inv, 0)

        pltpu.async_copy(x_hbm.at[src_v], rows_v, sem).wait()
        pltpu.sync_copy(rows_v, xg_hbm.at[pl.ds(base, SPW)])
        kk = wid // (NW // 2)
        tb = (wid % (NW // 2)) * SPW
        pltpu.sync_copy(sl_v, slotb_hbm.at[kk, pl.ds(tb, SPW)])

    return k2(code_flat, cnt2, x)


def _gmm_body(cnt_ref, xg_ref, w_ref, slotb_ref, wb_ref, out_ref,
              off_ref, ys_ref, p_ref):
    e = pl.program_id(0)

    @pl.when(e == 0)
    def _prep():
        def offb(j, acc):
            off_ref[j] = acc
            return acc + cnt_ref[0, j]

        off_ref[E] = lax.fori_loop(0, E, offb, 0)
        ys_ref[...] = jnp.zeros((A, D), _BF16)

    oe = off_ref[e]
    oe1 = off_ref[e + 1]
    oe16 = (oe // 16) * 16
    nc = jnp.where(oe1 > oe, (oe1 - oe16 + (M - 1)) // M, 0)
    wbf = w_ref[0].astype(_BF16)

    def cbody(c, carry):
        ws = oe16 + c * M
        ws_c = pl.multiple_of(jnp.minimum(ws, A - M), 16)
        g = ws_c + lax.broadcasted_iota(_I32, (M, 1), 0)
        lob = jnp.maximum(ws, oe)
        hib = jnp.minimum(ws + M, oe1)
        msk = (g >= lob) & (g < hib)
        xm = jnp.where(msk, xg_ref[pl.ds(ws_c, M), :], 0.0).astype(_BF16)
        prod = lax.dot_general(xm, wbf, (((1,), (1,)), ((), ())),
                               preferred_element_type=_F32)
        ys_ref[pl.ds(ws_c, M), :] += prod.astype(_BF16)
        return carry

    lax.fori_loop(0, nc, cbody, 0)

    @pl.when(e == E - 1)
    def _combine():
        ys = ys_ref[...]
        sidx = lax.broadcasted_iota(_I32, (HB, A), 1)
        for h in range(B // HB):
            rows = pl.ds(h * HB, HB)
            s1 = slotb_ref[0, rows]
            s2 = slotb_ref[1, rows]
            w1 = wb_ref[0, rows]
            w2 = wb_ref[1, rows]
            p_ref[...] = (jnp.where(sidx == s1, w1, 0.0)
                          + jnp.where(sidx == s2, w2, 0.0)).astype(_BF16)
            out_ref[rows, :] = lax.dot_general(
                p_ref[...], ys, (((1,), (0,)), ((), ())),
                preferred_element_type=_F32)


def _gmm_combine(cnt2, xg, expert_W, slotb, wb):
    grid_spec = pltpu.PrefetchScalarGridSpec(
        num_scalar_prefetch=1,
        grid=(E,),
        in_specs=[
            pl.BlockSpec((A, D), lambda e, cnt: (0, 0)),
            pl.BlockSpec((1, D, D), lambda e, cnt: (e, 0, 0)),
            pl.BlockSpec((2, B, 1), lambda e, cnt: (0, 0, 0)),
            pl.BlockSpec((2, B, 1), lambda e, cnt: (0, 0, 0)),
        ],
        out_specs=pl.BlockSpec((B, D), lambda e, cnt: (0, 0)),
        scratch_shapes=[
            pltpu.SMEM((E + 1,), _I32),
            pltpu.VMEM((A, D), _BF16),
            pltpu.VMEM((HB, A), _BF16),
        ],
    )
    return pl.pallas_call(
        _gmm_body,
        grid_spec=grid_spec,
        out_shape=jax.ShapeDtypeStruct((B, D), _F32),
        compiler_params=pltpu.CompilerParams(
            dimension_semantics=("arbitrary",),
            vmem_limit_bytes=100 * 1024 * 1024,
        ),
    )(cnt2, xg, expert_W, slotb, wb)


def kernel(input, ln_gamma, ln_beta, expert_keys, expert_W, expert_b):
    del expert_b
    gamma2 = ln_gamma.reshape(1, D)
    beta2 = ln_beta.reshape(1, D)

    code3, cnt2, wb = _gate(input, gamma2, beta2, expert_keys)
    code_flat = code3.reshape(A)
    xg, slotb = _sort_gather(code_flat, cnt2, input)
    return _gmm_combine(cnt2, xg, expert_W, slotb, wb)

# --- scband reference (transcript-rebuilt; emitter-appended) ---
"""Pipeline reference for scband-emulated-dmo-e-23433341567172 (READ-ONLY COPY).

The authoritative reference and input builder live on the scoring server;
editing this copy changes nothing except your own understanding.
"""

import jax, jax.numpy as jnp
import numpy as np

B = 2048
D = 768
E = 16
K = 2


def setup_inputs(seed: int = 0) -> dict:
    key = jax.random.key(seed)
    k1, k2, k3 = jax.random.split(key, 3)
    inp = {}
    inp["input"] = jax.random.normal(k1, (B, D), dtype=jnp.float32)
    # LayerNorm params (gating_pre_normalize)
    inp["ln_gamma"] = jnp.ones((D,), dtype=jnp.float32)
    inp["ln_beta"] = jnp.zeros((D,), dtype=jnp.float32)
    # expert routing keys [in_features, num_experts]
    inp["expert_keys"] = jax.random.normal(k2, (D, E), dtype=jnp.float32)
    # Expert = Linear(D, D): weight [E, D_out, D_in], bias [E, D]
    inp["expert_W"] = jax.random.normal(k3, (E, D, D), dtype=jnp.float32) * (1.0 / np.sqrt(D))
    inp["expert_b"] = jnp.zeros((E, D), dtype=jnp.float32)
    return inp


def reference(input, ln_gamma, ln_beta, expert_keys, expert_W, expert_b):
    # gating_pre_normalize: LayerNorm (biased variance, eps=1e-5, like torch)
    mu = jnp.mean(input, axis=-1, keepdims=True)
    var = jnp.var(input, axis=-1, keepdims=True)
    x_ln = (input - mu) / jnp.sqrt(var + 1e-5) * ln_gamma + ln_beta
    # F.normalize(expert_keys, dim=-1): per-row normalization over expert axis, eps=1e-12
    keys_n = expert_keys / jnp.maximum(jnp.linalg.norm(expert_keys, axis=-1, keepdims=True), 1e-12)
    gating_logits = x_ln @ keys_n  # [B, E]
    # argsort descending, take top num_active
    chosen_ids = jnp.argsort(-gating_logits, axis=-1)[:, :K]  # [B, K]
    chosen_logits = jnp.take_along_axis(gating_logits, chosen_ids, axis=-1)  # [B, K]
    weights = jax.nn.softmax(chosen_logits, axis=-1)  # [B, K]
    # Mathematically identical to the per-sample expert loop: compute all expert
    # outputs and combine with a sparse (top-k) combine matrix.
    # expert(x) = x @ W_e.T + b_e  (torch Linear)
    out_all = jnp.einsum('eod,bd->beo', expert_W, input) + expert_b[None, :, :]  # [B, E, D]
    combine = jnp.zeros((B, E), dtype=weights.dtype).at[jnp.arange(B)[:, None], chosen_ids].set(weights)  # [B, E]
    output = jnp.einsum('be,beo->bo', combine, out_all)  # [B, D]
    return output

if __name__ == "__main__":
    import jax
    _d = setup_inputs()
    print(jax.jit(kernel)(*tuple(_d.values())))

</pallas_src>

<mosaic_0001>
#map = affine_map<(d0, d1) -> (0)>
#map1 = affine_map<(d0, d1) -> (0, 0)>
#map2 = affine_map<(d0, d1) -> (0, 0, 0)>
module attributes {stable_mosaic.version = 14 : i64} {
  func.func @k2(%arg0: i32, %arg1: i32, %arg2: memref<4096xi32, #tpu.memory_space<hbm>>, %arg3: memref<1x16xi32, #tpu.memory_space<hbm>>, %arg4: memref<2048x768xf32, #tpu.memory_space<hbm>>, %arg5: memref<4096x768xf32, #tpu.memory_space<hbm>>, %arg6: memref<2x2048x1xi32, #tpu.memory_space<hbm>>, %arg7: memref<1x16xi32, #tpu.memory_space<vmem>>, %arg8: memref<16xf32, #tpu.memory_space<vmem>>, %arg9: memref<4096xi32, #tpu.memory_space<vmem>>, %arg10: memref<128xi32, #tpu.memory_space<vmem>>, %arg11: memref<128x1xi32, #tpu.memory_space<vmem>>, %arg12: memref<128x768xf32, #tpu.memory_space<vmem>>, %arg13: memref<!tpu.dma_semaphore, #tpu.memory_space<semaphore_mem>>) attributes {dimension_semantics = [#tpu.dimension_semantics<core_parallel>, #tpu.dimension_semantics<subcore_parallel>], iteration_bounds = array<i64: 2, 16>, scalar_prefetch = 0 : i64, scratch_operands = 7 : i64, tpu.core_type = #tpu.core_type<sc_vector_subcore>, window_params = [{transform_indices = #map}, {transform_indices = #map1}, {transform_indices = #map1}, {transform_indices = #map1}, {transform_indices = #map2}]} {
    %mul3A = arith.constant 2 : i32
    %mul3A_0 = arith.muli %arg1, %mul3A : i32
    %add3A = arith.addi %mul3A_0, %arg0 : i32
    %mul3A_1 = arith.constant 128 : i32
    %mul3A_2 = arith.muli %add3A, %mul3A_1 : i32
    "tpu.region"() ({
      %run_scoped3A = tpu.sem_alloc : memref<!tpu.dma_semaphore, #tpu.memory_space<semaphore_mem>>
      tpu.enqueue_dma source(%arg3 : memref<1x16xi32, #tpu.memory_space<hbm>>) target(%arg7 : memref<1x16xi32, #tpu.memory_space<vmem>>) target_semaphore(%run_scoped3A : memref<!tpu.dma_semaphore, #tpu.memory_space<semaphore_mem>>)
      tpu.wait_dma2 semaphore(%run_scoped3A : memref<!tpu.dma_semaphore, #tpu.memory_space<semaphore_mem>>) src(%arg3 : memref<1x16xi32, #tpu.memory_space<hbm>>) dst(%arg7 : memref<1x16xi32, #tpu.memory_space<vmem>>)
      tpu.yield
    }) : () -> ()
    "tpu.region"() ({
      %run_scoped3A = tpu.sem_alloc : memref<!tpu.dma_semaphore, #tpu.memory_space<semaphore_mem>>
      tpu.enqueue_dma source(%arg2 : memref<4096xi32, #tpu.memory_space<hbm>>) target(%arg9 : memref<4096xi32, #tpu.memory_space<vmem>>) target_semaphore(%run_scoped3A : memref<!tpu.dma_semaphore, #tpu.memory_space<semaphore_mem>>)
      tpu.wait_dma2 semaphore(%run_scoped3A : memref<!tpu.dma_semaphore, #tpu.memory_space<semaphore_mem>>) src(%arg2 : memref<4096xi32, #tpu.memory_space<hbm>>) dst(%arg9 : memref<4096xi32, #tpu.memory_space<vmem>>)
      tpu.yield
    }) : () -> ()
    %get3A = arith.constant 0 : i32
    %get3A_3 = arith.index_cast %get3A : i32 to index
    %get3A_4 = arith.constant 0 : index
    %get3A_5 = tpu.vector_load %arg7[%get3A_3, %get3A_4] {strides = array<i32>} : memref<1x16xi32, #tpu.memory_space<vmem>>, vector<16xi32>,
    %convert_element_type3A = arith.sitofp %get3A_5 : vector<16xi32> to vector<16xf32>
    %iota3A = tpu.iota {dimensions = array<i32: 0>} : vector<16xi32>
    %swap3A = arith.constant 0 : index
    %swap3A_6 = tpu.vector_load %arg8[%swap3A] {strides = array<i32>} : memref<16xf32, #tpu.memory_space<vmem>>, vector<16xf32>,
    tpu.vector_store %arg8[%swap3A], %convert_element_type3A {strides = array<i32>} : memref<16xf32, #tpu.memory_space<vmem>>, vector<16xf32>,
    %sub3A = arith.constant 1 : i32
    %sub3A_7 = vector.broadcast %sub3A : i32 to vector<16xi32>
    %sub3A_8 = arith.subi %iota3A, %sub3A_7 : vector<16xi32>
    %max3A = arith.constant 0 : i32
    %max3A_9 = vector.broadcast %max3A : i32 to vector<16xi32>
    %max3A_10 = arith.maxsi %sub3A_8, %max3A_9 : vector<16xi32>
    %gather3A = tpu.vector_load_idx %arg8[%max3A_10] : memref<16xf32, #tpu.memory_space<vmem>>[vector<16xi32>], vector<16xf32>,
    %ge3A = arith.constant 0 : i32
    %ge3A_11 = vector.broadcast %ge3A : i32 to vector<16xi32>
    %ge3A_12 = arith.cmpi sge, %sub3A_8, %ge3A_11 : vector<16xi32>
    %jit3A = arith.constant 0.000000e+00 : f32
    %broadcast_in_dim3A = vector.broadcast %jit3A : f32 to vector<16xf32>
    %select_n3A = arith.select %ge3A_12, %gather3A, %broadcast_in_dim3A : vector<16xi1>, vector<16xf32>
    %add3A_13 = arith.addf %convert_element_type3A, %select_n3A : vector<16xf32>
    %swap3A_14 = arith.constant 0 : index
    %swap3A_15 = tpu.vector_load %arg8[%swap3A_14] {strides = array<i32>} : memref<16xf32, #tpu.memory_space<vmem>>, vector<16xf32>,
    tpu.vector_store %arg8[%swap3A_14], %add3A_13 {strides = array<i32>} : memref<16xf32, #tpu.memory_space<vmem>>, vector<16xf32>,
    %sub3A_16 = arith.constant 2 : i32
    %sub3A_17 = vector.broadcast %sub3A_16 : i32 to vector<16xi32>
    %sub3A_18 = arith.subi %iota3A, %sub3A_17 : vector<16xi32>
    %max3A_19 = arith.constant 0 : i32
    %max3A_20 = vector.broadcast %max3A_19 : i32 to vector<16xi32>
    %max3A_21 = arith.maxsi %sub3A_18, %max3A_20 : vector<16xi32>
    %gather3A_22 = tpu.vector_load_idx %arg8[%max3A_21] : memref<16xf32, #tpu.memory_space<vmem>>[vector<16xi32>], vector<16xf32>,
    %ge3A_23 = arith.constant 0 : i32
    %ge3A_24 = vector.broadcast %ge3A_23 : i32 to vector<16xi32>
    %ge3A_25 = arith.cmpi sge, %sub3A_18, %ge3A_24 : vector<16xi32>
    %jit3A_26 = arith.constant 0.000000e+00 : f32
    %broadcast_in_dim3A_27 = vector.broadcast %jit3A_26 : f32 to vector<16xf32>
    %select_n3A_28 = arith.select %ge3A_25, %gather3A_22, %broadcast_in_dim3A_27 : vector<16xi1>, vector<16xf32>
    %add3A_29 = arith.addf %add3A_13, %select_n3A_28 : vector<16xf32>
    %swap3A_30 = arith.constant 0 : index
    %swap3A_31 = tpu.vector_load %arg8[%swap3A_30] {strides = array<i32>} : memref<16xf32, #tpu.memory_space<vmem>>, vector<16xf32>,
    tpu.vector_store %arg8[%swap3A_30], %add3A_29 {strides = array<i32>} : memref<16xf32, #tpu.memory_space<vmem>>, vector<16xf32>,
    %sub3A_32 = arith.constant 4 : i32
    %sub3A_33 = vector.broadcast %sub3A_32 : i32 to vector<16xi32>
    %sub3A_34 = arith.subi %iota3A, %sub3A_33 : vector<16xi32>
    %max3A_35 = arith.constant 0 : i32
    %max3A_36 = vector.broadcast %max3A_35 : i32 to vector<16xi32>
    %max3A_37 = arith.maxsi %sub3A_34, %max3A_36 : vector<16xi32>
    %gather3A_38 = tpu.vector_load_idx %arg8[%max3A_37] : memref<16xf32, #tpu.memory_space<vmem>>[vector<16xi32>], vector<16xf32>,
    %ge3A_39 = arith.constant 0 : i32
    %ge3A_40 = vector.broadcast %ge3A_39 : i32 to vector<16xi32>
    %ge3A_41 = arith.cmpi sge, %sub3A_34, %ge3A_40 : vector<16xi32>
    %jit3A_42 = arith.constant 0.000000e+00 : f32
    %broadcast_in_dim3A_43 = vector.broadcast %jit3A_42 : f32 to vector<16xf32>
    %select_n3A_44 = arith.select %ge3A_41, %gather3A_38, %broadcast_in_dim3A_43 : vector<16xi1>, vector<16xf32>
    %add3A_45 = arith.addf %add3A_29, %select_n3A_44 : vector<16xf32>
    %swap3A_46 = arith.constant 0 : index
    %swap3A_47 = tpu.vector_load %arg8[%swap3A_46] {strides = array<i32>} : memref<16xf32, #tpu.memory_space<vmem>>, vector<16xf32>,
    tpu.vector_store %arg8[%swap3A_46], %add3A_45 {strides = array<i32>} : memref<16xf32, #tpu.memory_space<vmem>>, vector<16xf32>,
    %sub3A_48 = arith.constant 8 : i32
    %sub3A_49 = vector.broadcast %sub3A_48 : i32 to vector<16xi32>
    %sub3A_50 = arith.subi %iota3A, %sub3A_49 : vector<16xi32>
    %max3A_51 = arith.constant 0 : i32
    %max3A_52 = vector.broadcast %max3A_51 : i32 to vector<16xi32>
    %max3A_53 = arith.maxsi %sub3A_50, %max3A_52 : vector<16xi32>
    %gather3A_54 = tpu.vector_load_idx %arg8[%max3A_53] : memref<16xf32, #tpu.memory_space<vmem>>[vector<16xi32>], vector<16xf32>,
    %ge3A_55 = arith.constant 0 : i32
    %ge3A_56 = vector.broadcast %ge3A_55 : i32 to vector<16xi32>
    %ge3A_57 = arith.cmpi sge, %sub3A_50, %ge3A_56 : vector<16xi32>
    %jit3A_58 = arith.constant 0.000000e+00 : f32
    %broadcast_in_dim3A_59 = vector.broadcast %jit3A_58 : f32 to vector<16xf32>
    %select_n3A_60 = arith.select %ge3A_57, %gather3A_54, %broadcast_in_dim3A_59 : vector<16xi1>, vector<16xf32>
    %add3A_61 = arith.addf %add3A_45, %select_n3A_60 : vector<16xf32>
    %sub3A_62 = arith.subf %add3A_61, %convert_element_type3A : vector<16xf32>
    %swap3A_63 = arith.constant 0 : index
    %swap3A_64 = tpu.vector_load %arg8[%swap3A_63] {strides = array<i32>} : memref<16xf32, #tpu.memory_space<vmem>>, vector<16xf32>,
    tpu.vector_store %arg8[%swap3A_63], %sub3A_62 {strides = array<i32>} : memref<16xf32, #tpu.memory_space<vmem>>, vector<16xf32>,
    %mul3A_65 = arith.constant 0 : i32
    %mul3A_66 = vector.broadcast %mul3A_65 : i32 to vector<16xi32>
    %mul3A_67 = arith.muli %iota3A, %mul3A_66 : vector<16xi32>
    %scan3A = arith.constant 0 : i32
    %scan3A_68 = arith.constant 0 : i32
    %scan3A_69 = arith.constant 8 : i32
    %scan3A_70 = arith.addi %scan3A_68, %scan3A_69 : i32
    %scan3A_71 = arith.constant 1 : i32
    scf.for %scan3A_118 = %scan3A_68 to %scan3A_70 step %scan3A_71  : i32 {
      %mul3A_119 = arith.constant 8 : i32
      %mul3A_120 = arith.muli %add3A, %mul3A_119 : i32
      %add3A_121 = arith.addi %mul3A_120, %scan3A_118 : i32
      %mul3A_122 = arith.constant 16 : i32
      %mul3A_123 = arith.muli %add3A_121, %mul3A_122 : i32
      %get3A_124 = arith.index_cast %mul3A_123 : i32 to index
      %get3A_125 = tpu.vector_load %arg9[%get3A_124] {strides = array<i32>} : memref<4096xi32, #tpu.memory_space<vmem>>, vector<16xi32>,
      %shift_right_arithmetic3A = arith.constant 12 : i32
      %shift_right_arithmetic3A_126 = vector.broadcast %shift_right_arithmetic3A : i32 to vector<16xi32>
      %shift_right_arithmetic3A_127 = arith.shrsi %get3A_125, %shift_right_arithmetic3A_126 : vector<16xi32>
      %gather3A_128 = tpu.vector_load_idx %arg8[%shift_right_arithmetic3A_127] : memref<16xf32, #tpu.memory_space<vmem>>[vector<16xi32>], vector<16xf32>,
      %convert_element_type3A_129 = arith.fptosi %gather3A_128 : vector<16xf32> to vector<16xi32>
      %mul3A_130 = arith.constant 16 : i32
      %mul3A_131 = arith.muli %scan3A_118, %mul3A_130 : i32
      %add3A_132 = vector.broadcast %mul3A_131 : i32 to vector<16xi32>
      %add3A_133 = arith.addi %add3A_132, %iota3A : vector<16xi32>
      %and3A_134 = arith.constant 4095 : i32
      %and3A_135 = vector.broadcast %and3A_134 : i32 to vector<16xi32>
      %and3A_136 = arith.andi %get3A_125, %and3A_135 : vector<16xi32>
      %add3A_137 = arith.addi %convert_element_type3A_129, %and3A_136 : vector<16xi32>
      tpu.vector_store_idx %arg11[%add3A_133, %mul3A_67], %add3A_137 : memref<128x1xi32, #tpu.memory_space<vmem>>[vector<16xi32>, vector<16xi32>], vector<16xi32>,
    }
    %scan3A_72 = arith.constant 8 : i32
    %scan3A_73 = arith.constant 0 : i32
    %scan3A_74 = arith.constant 0 : i32
    %scan3A_75 = arith.constant 64 : i32
    %scan3A_76 = arith.addi %scan3A_74, %scan3A_75 : i32
    %scan3A_77 = arith.constant 1 : i32
    scf.for %scan3A_118 = %scan3A_74 to %scan3A_76 step %scan3A_77  : i32 {
      %mul3A_119 = arith.constant 4 : i32
      %mul3A_120 = arith.muli %scan3A_118, %mul3A_119 : i32
      %add3A_121 = arith.constant 0 : i32
      %add3A_122 = arith.addi %mul3A_120, %add3A_121 : i32
      %mul3A_123 = arith.constant 16 : i32
      %mul3A_124 = arith.muli %add3A_122, %mul3A_123 : i32
      %get3A_125 = arith.index_cast %mul3A_124 : i32 to index
      %get3A_126 = tpu.vector_load %arg9[%get3A_125] {strides = array<i32>} : memref<4096xi32, #tpu.memory_space<vmem>>, vector<16xi32>,
      %shift_right_arithmetic3A = arith.constant 12 : i32
      %shift_right_arithmetic3A_127 = vector.broadcast %shift_right_arithmetic3A : i32 to vector<16xi32>
      %shift_right_arithmetic3A_128 = arith.shrsi %get3A_126, %shift_right_arithmetic3A_127 : vector<16xi32>
      %gather3A_129 = tpu.vector_load_idx %arg8[%shift_right_arithmetic3A_128] : memref<16xf32, #tpu.memory_space<vmem>>[vector<16xi32>], vector<16xf32>,
      %convert_element_type3A_130 = arith.fptosi %gather3A_129 : vector<16xf32> to vector<16xi32>
      %and3A_131 = arith.constant 4095 : i32
      %and3A_132 = vector.broadcast %and3A_131 : i32 to vector<16xi32>
      %and3A_133 = arith.andi %get3A_126, %and3A_132 : vector<16xi32>
      %add3A_134 = arith.addi %convert_element_type3A_130, %and3A_133 : vector<16xi32>
      %mul3A_135 = arith.constant 16 : i32
      %mul3A_136 = arith.muli %add3A_122, %mul3A_135 : i32
      %add3A_137 = vector.broadcast %mul3A_136 : i32 to vector<16xi32>
      %add3A_138 = arith.addi %add3A_137, %iota3A : vector<16xi32>
      %and3A_139 = arith.constant 2047 : i32
      %and3A_140 = vector.broadcast %and3A_139 : i32 to vector<16xi32>
      %and3A_141 = arith.andi %add3A_138, %and3A_140 : vector<16xi32>
      %sub3A_142 = vector.broadcast %mul3A_2 : i32 to vector<16xi32>
      %sub3A_143 = arith.subi %add3A_134, %sub3A_142 : vector<16xi32>
      %ge3A_144 = arith.constant 0 : i32
      %ge3A_145 = vector.broadcast %ge3A_144 : i32 to vector<16xi32>
      %ge3A_146 = arith.cmpi sge, %sub3A_143, %ge3A_145 : vector<16xi32>
      %lt3A_147 = arith.constant 128 : i32
      %lt3A_148 = vector.broadcast %lt3A_147 : i32 to vector<16xi32>
      %lt3A_149 = arith.cmpi slt, %sub3A_143, %lt3A_148 : vector<16xi32>
      %and3A_150 = arith.andi %ge3A_146, %lt3A_149 : vector<16xi1>
      %jit3A_151 = arith.constant 0 : i32
      %jit3A_152 = arith.constant 127 : i32
      %max3A_153 = vector.broadcast %jit3A_151 : i32 to vector<16xi32>
      %max3A_154 = arith.maxsi %max3A_153, %sub3A_143 : vector<16xi32>
      %min3A = vector.broadcast %jit3A_152 : i32 to vector<16xi32>
      %min3A_155 = arith.minsi %min3A, %max3A_154 : vector<16xi32>
      tpu.vector_store_idx %arg10[%min3A_155], %and3A_141 masked %and3A_150 : memref<128xi32, #tpu.memory_space<vmem>>[vector<16xi32>], vector<16xi32>, vector<16xi1>
      %mul3A_156 = arith.constant 4 : i32
      %mul3A_157 = arith.muli %scan3A_118, %mul3A_156 : i32
      %add3A_158 = arith.constant 1 : i32
      %add3A_159 = arith.addi %mul3A_157, %add3A_158 : i32
      %mul3A_160 = arith.constant 16 : i32
      %mul3A_161 = arith.muli %add3A_159, %mul3A_160 : i32
      %get3A_162 = arith.index_cast %mul3A_161 : i32 to index
      %get3A_163 = tpu.vector_load %arg9[%get3A_162] {strides = array<i32>} : memref<4096xi32, #tpu.memory_space<vmem>>, vector<16xi32>,
      %shift_right_arithmetic3A_164 = arith.constant 12 : i32
      %shift_right_arithmetic3A_165 = vector.broadcast %shift_right_arithmetic3A_164 : i32 to vector<16xi32>
      %shift_right_arithmetic3A_166 = arith.shrsi %get3A_163, %shift_right_arithmetic3A_165 : vector<16xi32>
      %gather3A_167 = tpu.vector_load_idx %arg8[%shift_right_arithmetic3A_166] : memref<16xf32, #tpu.memory_space<vmem>>[vector<16xi32>], vector<16xf32>,
      %convert_element_type3A_168 = arith.fptosi %gather3A_167 : vector<16xf32> to vector<16xi32>
      %and3A_169 = arith.constant 4095 : i32
      %and3A_170 = vector.broadcast %and3A_169 : i32 to vector<16xi32>
      %and3A_171 = arith.andi %get3A_163, %and3A_170 : vector<16xi32>
      %add3A_172 = arith.addi %convert_element_type3A_168, %and3A_171 : vector<16xi32>
      %mul3A_173 = arith.constant 16 : i32
      %mul3A_174 = arith.muli %add3A_159, %mul3A_173 : i32
      %add3A_175 = vector.broadcast %mul3A_174 : i32 to vector<16xi32>
      %add3A_176 = arith.addi %add3A_175, %iota3A : vector<16xi32>
      %and3A_177 = arith.constant 2047 : i32
      %and3A_178 = vector.broadcast %and3A_177 : i32 to vector<16xi32>
      %and3A_179 = arith.andi %add3A_176, %and3A_178 : vector<16xi32>
      %sub3A_180 = vector.broadcast %mul3A_2 : i32 to vector<16xi32>
      %sub3A_181 = arith.subi %add3A_172, %sub3A_180 : vector<16xi32>
      %ge3A_182 = arith.constant 0 : i32
      %ge3A_183 = vector.broadcast %ge3A_182 : i32 to vector<16xi32>
      %ge3A_184 = arith.cmpi sge, %sub3A_181, %ge3A_183 : vector<16xi32>
      %lt3A_185 = arith.constant 128 : i32
      %lt3A_186 = vector.broadcast %lt3A_185 : i32 to vector<16xi32>
      %lt3A_187 = arith.cmpi slt, %sub3A_181, %lt3A_186 : vector<16xi32>
      %and3A_188 = arith.andi %ge3A_184, %lt3A_187 : vector<16xi1>
      %jit3A_189 = arith.constant 0 : i32
      %jit3A_190 = arith.constant 127 : i32
      %max3A_191 = vector.broadcast %jit3A_189 : i32 to vector<16xi32>
      %max3A_192 = arith.maxsi %max3A_191, %sub3A_181 : vector<16xi32>
      %min3A_193 = vector.broadcast %jit3A_190 : i32 to vector<16xi32>
      %min3A_194 = arith.minsi %min3A_193, %max3A_192 : vector<16xi32>
      tpu.vector_store_idx %arg10[%min3A_194], %and3A_179 masked %and3A_188 : memref<128xi32, #tpu.memory_space<vmem>>[vector<16xi32>], vector<16xi32>, vector<16xi1>
      %mul3A_195 = arith.constant 4 : i32
      %mul3A_196 = arith.muli %scan3A_118, %mul3A_195 : i32
      %add3A_197 = arith.constant 2 : i32
      %add3A_198 = arith.addi %mul3A_196, %add3A_197 : i32
      %mul3A_199 = arith.constant 16 : i32
      %mul3A_200 = arith.muli %add3A_198, %mul3A_199 : i32
      %get3A_201 = arith.index_cast %mul3A_200 : i32 to index
      %get3A_202 = tpu.vector_load %arg9[%get3A_201] {strides = array<i32>} : memref<4096xi32, #tpu.memory_space<vmem>>, vector<16xi32>,
      %shift_right_arithmetic3A_203 = arith.constant 12 : i32
      %shift_right_arithmetic3A_204 = vector.broadcast %shift_right_arithmetic3A_203 : i32 to vector<16xi32>
      %shift_right_arithmetic3A_205 = arith.shrsi %get3A_202, %shift_right_arithmetic3A_204 : vector<16xi32>
      %gather3A_206 = tpu.vector_load_idx %arg8[%shift_right_arithmetic3A_205] : memref<16xf32, #tpu.memory_space<vmem>>[vector<16xi32>], vector<16xf32>,
      %convert_element_type3A_207 = arith.fptosi %gather3A_206 : vector<16xf32> to vector<16xi32>
      %and3A_208 = arith.constant 4095 : i32
      %and3A_209 = vector.broadcast %and3A_208 : i32 to vector<16xi32>
      %and3A_210 = arith.andi %get3A_202, %and3A_209 : vector<16xi32>
      %add3A_211 = arith.addi %convert_element_type3A_207, %and3A_210 : vector<16xi32>
      %mul3A_212 = arith.constant 16 : i32
      %mul3A_213 = arith.muli %add3A_198, %mul3A_212 : i32
      %add3A_214 = vector.broadcast %mul3A_213 : i32 to vector<16xi32>
      %add3A_215 = arith.addi %add3A_214, %iota3A : vector<16xi32>
      %and3A_216 = arith.constant 2047 : i32
      %and3A_217 = vector.broadcast %and3A_216 : i32 to vector<16xi32>
      %and3A_218 = arith.andi %add3A_215, %and3A_217 : vector<16xi32>
      %sub3A_219 = vector.broadcast %mul3A_2 : i32 to vector<16xi32>
      %sub3A_220 = arith.subi %add3A_211, %sub3A_219 : vector<16xi32>
      %ge3A_221 = arith.constant 0 : i32
      %ge3A_222 = vector.broadcast %ge3A_221 : i32 to vector<16xi32>
      %ge3A_223 = arith.cmpi sge, %sub3A_220, %ge3A_222 : vector<16xi32>
      %lt3A_224 = arith.constant 128 : i32
      %lt3A_225 = vector.broadcast %lt3A_224 : i32 to vector<16xi32>
      %lt3A_226 = arith.cmpi slt, %sub3A_220, %lt3A_225 : vector<16xi32>
      %and3A_227 = arith.andi %ge3A_223, %lt3A_226 : vector<16xi1>
      %jit3A_228 = arith.constant 0 : i32
      %jit3A_229 = arith.constant 127 : i32
      %max3A_230 = vector.broadcast %jit3A_228 : i32 to vector<16xi32>
      %max3A_231 = arith.maxsi %max3A_230, %sub3A_220 : vector<16xi32>
      %min3A_232 = vector.broadcast %jit3A_229 : i32 to vector<16xi32>
      %min3A_233 = arith.minsi %min3A_232, %max3A_231 : vector<16xi32>
      tpu.vector_store_idx %arg10[%min3A_233], %and3A_218 masked %and3A_227 : memref<128xi32, #tpu.memory_space<vmem>>[vector<16xi32>], vector<16xi32>, vector<16xi1>
      %mul3A_234 = arith.constant 4 : i32
      %mul3A_235 = arith.muli %scan3A_118, %mul3A_234 : i32
      %add3A_236 = arith.constant 3 : i32
      %add3A_237 = arith.addi %mul3A_235, %add3A_236 : i32
      %mul3A_238 = arith.constant 16 : i32
      %mul3A_239 = arith.muli %add3A_237, %mul3A_238 : i32
      %get3A_240 = arith.index_cast %mul3A_239 : i32 to index
      %get3A_241 = tpu.vector_load %arg9[%get3A_240] {strides = array<i32>} : memref<4096xi32, #tpu.memory_space<vmem>>, vector<16xi32>,
      %shift_right_arithmetic3A_242 = arith.constant 12 : i32
      %shift_right_arithmetic3A_243 = vector.broadcast %shift_right_arithmetic3A_242 : i32 to vector<16xi32>
      %shift_right_arithmetic3A_244 = arith.shrsi %get3A_241, %shift_right_arithmetic3A_243 : vector<16xi32>
      %gather3A_245 = tpu.vector_load_idx %arg8[%shift_right_arithmetic3A_244] : memref<16xf32, #tpu.memory_space<vmem>>[vector<16xi32>], vector<16xf32>,
      %convert_element_type3A_246 = arith.fptosi %gather3A_245 : vector<16xf32> to vector<16xi32>
      %and3A_247 = arith.constant 4095 : i32
      %and3A_248 = vector.broadcast %and3A_247 : i32 to vector<16xi32>
      %and3A_249 = arith.andi %get3A_241, %and3A_248 : vector<16xi32>
      %add3A_250 = arith.addi %convert_element_type3A_246, %and3A_249 : vector<16xi32>
      %mul3A_251 = arith.constant 16 : i32
      %mul3A_252 = arith.muli %add3A_237, %mul3A_251 : i32
      %add3A_253 = vector.broadcast %mul3A_252 : i32 to vector<16xi32>
      %add3A_254 = arith.addi %add3A_253, %iota3A : vector<16xi32>
      %and3A_255 = arith.constant 2047 : i32
      %and3A_256 = vector.broadcast %and3A_255 : i32 to vector<16xi32>
      %and3A_257 = arith.andi %add3A_254, %and3A_256 : vector<16xi32>
      %sub3A_258 = vector.broadcast %mul3A_2 : i32 to vector<16xi32>
      %sub3A_259 = arith.subi %add3A_250, %sub3A_258 : vector<16xi32>
      %ge3A_260 = arith.constant 0 : i32
      %ge3A_261 = vector.broadcast %ge3A_260 : i32 to vector<16xi32>
      %ge3A_262 = arith.cmpi sge, %sub3A_259, %ge3A_261 : vector<16xi32>
      %lt3A_263 = arith.constant 128 : i32
      %lt3A_264 = vector.broadcast %lt3A_263 : i32 to vector<16xi32>
      %lt3A_265 = arith.cmpi slt, %sub3A_259, %lt3A_264 : vector<16xi32>
      %and3A_266 = arith.andi %ge3A_262, %lt3A_265 : vector<16xi1>
      %jit3A_267 = arith.constant 0 : i32
      %jit3A_268 = arith.constant 127 : i32
      %max3A_269 = vector.broadcast %jit3A_267 : i32 to vector<16xi32>
      %max3A_270 = arith.maxsi %max3A_269, %sub3A_259 : vector<16xi32>
      %min3A_271 = vector.broadcast %jit3A_268 : i32 to vector<16xi32>
      %min3A_272 = arith.minsi %min3A_271, %max3A_270 : vector<16xi32>
      tpu.vector_store_idx %arg10[%min3A_272], %and3A_257 masked %and3A_266 : memref<128xi32, #tpu.memory_space<vmem>>[vector<16xi32>], vector<16xi32>, vector<16xi1>
    }
    %scan3A_78 = arith.constant 64 : i32
    %dma_start3A = arith.constant 0 : i32
    %dma_start3A_79 = arith.constant 0 : i32
    %dma_start3A_80 = tpu.memref_slice %arg4[%dma_start3A, %dma_start3A_79] : memref<2048x768xf32, #tpu.memory_space<hbm>> -> memref<2048x768xf32, #tpu.memory_space<hbm>>
    tpu.enqueue_indirect_dma source(%dma_start3A_80 : memref<2048x768xf32, #tpu.memory_space<hbm>>) target(%arg12 : memref<128x768xf32, #tpu.memory_space<vmem>>) offsets(%arg10 : memref<128xi32, #tpu.memory_space<vmem>>) semaphore(%arg13 : memref<!tpu.dma_semaphore, #tpu.memory_space<semaphore_mem>>)
    %dma_wait3A = arith.constant 0 : i32
    %dma_wait3A_81 = arith.constant 0 : i32
    %dma_wait3A_82 = tpu.memref_slice %arg4[%dma_wait3A, %dma_wait3A_81] : memref<2048x768xf32, #tpu.memory_space<hbm>> -> memref<2048x768xf32, #tpu.memory_space<hbm>>
    tpu.wait_indirect_dma semaphore(%arg13 : memref<!tpu.dma_semaphore, #tpu.memory_space<semaphore_mem>>) src(%dma_wait3A_82 : memref<2048x768xf32, #tpu.memory_space<hbm>>) dst(%arg12 : memref<128x768xf32, #tpu.memory_space<vmem>>)
    "tpu.region"() ({
      %run_scoped3A = tpu.sem_alloc : memref<!tpu.dma_semaphore, #tpu.memory_space<semaphore_mem>>
      %dma_start3A_118 = arith.constant 0 : i32
      %dma_start3A_119 = tpu.memref_slice %arg5[%mul3A_2, %dma_start3A_118] : memref<4096x768xf32, #tpu.memory_space<hbm>> -> memref<128x768xf32, #tpu.memory_space<hbm>>
      %dma_start3A_120 = arith.constant 0 : i32
      %dma_start3A_121 = tpu.memref_slice %arg5[%mul3A_2, %dma_start3A_120] : memref<4096x768xf32, #tpu.memory_space<hbm>> -> memref<128x768xf32, #tpu.memory_space<hbm>>
      tpu.enqueue_dma source(%arg12 : memref<128x768xf32, #tpu.memory_space<vmem>>) target(%dma_start3A_121 : memref<128x768xf32, #tpu.memory_space<hbm>>) target_semaphore(%run_scoped3A : memref<!tpu.dma_semaphore, #tpu.memory_space<semaphore_mem>>)
      %dma_wait3A_122 = arith.constant 0 : i32
      %dma_wait3A_123 = tpu.memref_slice %arg5[%mul3A_2, %dma_wait3A_122] : memref<4096x768xf32, #tpu.memory_space<hbm>> -> memref<128x768xf32, #tpu.memory_space<hbm>>
      %dma_wait3A_124 = arith.constant 0 : i32
      %dma_wait3A_125 = tpu.memref_slice %arg5[%mul3A_2, %dma_wait3A_124] : memref<4096x768xf32, #tpu.memory_space<hbm>> -> memref<128x768xf32, #tpu.memory_space<hbm>>
      tpu.wait_dma2 semaphore(%run_scoped3A : memref<!tpu.dma_semaphore, #tpu.memory_space<semaphore_mem>>) src(%arg12 : memref<128x768xf32, #tpu.memory_space<vmem>>) dst(%dma_wait3A_125 : memref<128x768xf32, #tpu.memory_space<hbm>>)
      tpu.yield
    }) : () -> ()
    %jit3A_83 = arith.constant 16 : i32
    %div3A = arith.divsi %add3A, %jit3A_83 : i32
    %sign3A = arith.constant 0 : i32
    %sign3A_84 = arith.cmpi sgt, %add3A, %sign3A : i32
    %sign3A_85 = arith.extui %sign3A_84 : i1 to i32
    %sign3A_86 = arith.constant 0 : i32
    %sign3A_87 = arith.cmpi slt, %add3A, %sign3A_86 : i32
    %sign3A_88 = arith.extui %sign3A_87 : i1 to i32
    %sign3A_89 = arith.subi %sign3A_85, %sign3A_88 : i32
    %sign3A_90 = arith.constant 0 : i32
    %sign3A_91 = arith.cmpi sgt, %jit3A_83, %sign3A_90 : i32
    %sign3A_92 = arith.extui %sign3A_91 : i1 to i32
    %sign3A_93 = arith.constant 0 : i32
    %sign3A_94 = arith.cmpi slt, %jit3A_83, %sign3A_93 : i32
    %sign3A_95 = arith.extui %sign3A_94 : i1 to i32
    %sign3A_96 = arith.subi %sign3A_92, %sign3A_95 : i32
    %ne3A = arith.cmpi ne, %sign3A_89, %sign3A_96 : i32
    %rem3A = arith.remsi %add3A, %jit3A_83 : i32
    %ne3A_97 = arith.constant 0 : i32
    %ne3A_98 = arith.cmpi ne, %rem3A, %ne3A_97 : i32
    %and3A = arith.andi %ne3A, %ne3A_98 : i1
    %sub3A_99 = arith.constant 1 : i32
    %sub3A_100 = arith.subi %div3A, %sub3A_99 : i32
    %select_n3A_101 = arith.select %and3A, %sub3A_100, %div3A : i32
    %jit3A_102 = arith.constant 16 : i32
    %eq3A = arith.constant 0 : i32
    %eq3A_103 = arith.cmpi eq, %jit3A_102, %eq3A : i32
    %jit3A_104 = arith.constant 1 : i32
    %select_n3A_105 = arith.select %eq3A_103, %jit3A_104, %jit3A_102 : i32
    %rem3A_106 = arith.remsi %add3A, %select_n3A_105 : i32
    %ne3A_107 = arith.constant 0 : i32
    %ne3A_108 = arith.cmpi ne, %rem3A_106, %ne3A_107 : i32
    %lt3A = arith.constant 0 : i32
    %lt3A_109 = arith.cmpi slt, %rem3A_106, %lt3A : i32
    %lt3A_110 = arith.constant 0 : i32
    %lt3A_111 = arith.cmpi slt, %select_n3A_105, %lt3A_110 : i32
    %ne3A_112 = arith.xori %lt3A_109, %lt3A_111 : i1
    %and3A_113 = arith.andi %ne3A_112, %ne3A_108 : i1
    %add3A_114 = arith.addi %rem3A_106, %select_n3A_105 : i32
    %select_n3A_115 = arith.select %and3A_113, %add3A_114, %rem3A_106 : i32
    %mul3A_116 = arith.constant 128 : i32
    %mul3A_117 = arith.muli %select_n3A_115, %mul3A_116 : i32
    "tpu.region"() ({
      %run_scoped3A = tpu.sem_alloc : memref<!tpu.dma_semaphore, #tpu.memory_space<semaphore_mem>>
      %dma_start3A_118 = arith.constant 0 : i32
      %dma_start3A_119 = tpu.memref_slice %arg6[%select_n3A_101, %mul3A_117, %dma_start3A_118] : memref<2x2048x1xi32, #tpu.memory_space<hbm>> -> memref<1x128x1xi32, #tpu.memory_space<hbm>>
      %dma_start3A_120 = tpu.memref_squeeze %dma_start3A_119 : memref<1x128x1xi32, #tpu.memory_space<hbm>> -> memref<128x1xi32, #tpu.memory_space<hbm>>
      %dma_start3A_121 = arith.constant 0 : i32
      %dma_start3A_122 = tpu.memref_slice %arg6[%select_n3A_101, %mul3A_117, %dma_start3A_121] : memref<2x2048x1xi32, #tpu.memory_space<hbm>> -> memref<1x128x1xi32, #tpu.memory_space<hbm>>
      %dma_start3A_123 = tpu.memref_squeeze %dma_start3A_122 : memref<1x128x1xi32, #tpu.memory_space<hbm>> -> memref<128x1xi32, #tpu.memory_space<hbm>>
      tpu.enqueue_dma source(%arg11 : memref<128x1xi32, #tpu.memory_space<vmem>>) target(%dma_start3A_123 : memref<128x1xi32, #tpu.memory_space<hbm>>) target_semaphore(%run_scoped3A : memref<!tpu.dma_semaphore, #tpu.memory_space<semaphore_mem>>)
      %dma_wait3A_124 = arith.constant 0 : i32
      %dma_wait3A_125 = tpu.memref_slice %arg6[%select_n3A_101, %mul3A_117, %dma_wait3A_124] : memref<2x2048x1xi32, #tpu.memory_space<hbm>> -> memref<1x128x1xi32, #tpu.memory_space<hbm>>
      %dma_wait3A_126 = tpu.memref_squeeze %dma_wait3A_125 : memref<1x128x1xi32, #tpu.memory_space<hbm>> -> memref<128x1xi32, #tpu.memory_space<hbm>>
      %dma_wait3A_127 = arith.constant 0 : i32
      %dma_wait3A_128 = tpu.memref_slice %arg6[%select_n3A_101, %mul3A_117, %dma_wait3A_127] : memref<2x2048x1xi32, #tpu.memory_space<hbm>> -> memref<1x128x1xi32, #tpu.memory_space<hbm>>
      %dma_wait3A_129 = tpu.memref_squeeze %dma_wait3A_128 : memref<1x128x1xi32, #tpu.memory_space<hbm>> -> memref<128x1xi32, #tpu.memory_space<hbm>>
      tpu.wait_dma2 semaphore(%run_scoped3A : memref<!tpu.dma_semaphore, #tpu.memory_space<semaphore_mem>>) src(%arg11 : memref<128x1xi32, #tpu.memory_space<vmem>>) dst(%dma_wait3A_129 : memref<128x1xi32, #tpu.memory_space<hbm>>)
      tpu.yield
    }) : () -> ()
    return
  }
}

module attributes {stable_mosaic.version = 14 : i64} {
  func.func @_gate_body(%arg0: i32, %arg1: memref<256x768xf32, #tpu.memory_space<vmem>>, %arg2: memref<1x768xf32, #tpu.memory_space<vmem>>, %arg3: memref<1x768xf32, #tpu.memory_space<vmem>>, %arg4: memref<768x16xf32, #tpu.memory_space<vmem>>, %arg5: memref<2x256x1xi32, #tpu.memory_space<vmem>>, %arg6: memref<1x16xi32, #tpu.memory_space<vmem>>, %arg7: memref<2x256x1xf32, #tpu.memory_space<vmem>>, %arg8: memref<1x16xf32, #tpu.memory_space<vmem>>) attributes {dimension_semantics = [#tpu.dimension_semantics<arbitrary>], iteration_bounds = array<i64: 8>, scalar_prefetch = 0 : i64, scratch_operands = 1 : i64, tpu.core_type = #tpu.core_type<tc>, window_params = [{transform_indices = @transform_0, window_bounds = array<i64: 256, 768>}, {pipeline_mode = #tpu.pipeline_mode<synchronous>, transform_indices = @transform_1, window_bounds = array<i64: 1, 768>}, {pipeline_mode = #tpu.pipeline_mode<synchronous>, transform_indices = @transform_2, window_bounds = array<i64: 1, 768>}, {pipeline_mode = #tpu.pipeline_mode<synchronous>, transform_indices = @transform_3, window_bounds = array<i64: 768, 16>}, {transform_indices = @transform_4, window_bounds = array<i64: 2, 256, 1>}, {pipeline_mode = #tpu.pipeline_mode<synchronous>, transform_indices = @transform_5, window_bounds = array<i64: 1, 16>}, {transform_indices = @transform_6, window_bounds = array<i64: 2, 256, 1>}]} {
    %get3A = arith.constant 0 : index
    %get3A_0 = arith.constant 0 : index
    %get3A_1 = vector.load %arg1[%get3A, %get3A_0] : memref<256x768xf32, #tpu.memory_space<vmem>>, vector<256x768xf32>
    %reduce_sum3A = arith.constant dense<0.000000e+00> : vector<256xf32>
    %reduce_sum3A_2 = vector.multi_reduction <add>, %get3A_1, %reduce_sum3A [1] : vector<256x768xf32> to vector<256xf32>
    %broadcast_in_dim3A = vector.shape_cast %reduce_sum3A_2 : vector<256xf32> to vector<256x1xf32>
    %div3A = arith.constant 7.680000e+02 : f32
    %div3A_3 = vector.broadcast %div3A : f32 to vector<256x1xf32>
    %div3A_4 = arith.divf %broadcast_in_dim3A, %div3A_3 : vector<256x1xf32>
    %sub3A = vector.broadcast %div3A_4 : vector<256x1xf32> to vector<256x768xf32>
    %sub3A_5 = arith.subf %get3A_1, %sub3A : vector<256x768xf32>
    %mul3A = arith.mulf %sub3A_5, %sub3A_5 : vector<256x768xf32>
    %reduce_sum3A_6 = arith.constant dense<0.000000e+00> : vector<256xf32>
    %reduce_sum3A_7 = vector.multi_reduction <add>, %mul3A, %reduce_sum3A_6 [1] : vector<256x768xf32> to vector<256xf32>
    %broadcast_in_dim3A_8 = vector.shape_cast %reduce_sum3A_7 : vector<256xf32> to vector<256x1xf32>
    %div3A_9 = arith.constant 7.680000e+02 : f32
    %div3A_10 = vector.broadcast %div3A_9 : f32 to vector<256x1xf32>
    %div3A_11 = arith.divf %broadcast_in_dim3A_8, %div3A_10 : vector<256x1xf32>
    %add3A = arith.constant 9.99999974E-6 : f32
    %add3A_12 = vector.broadcast %add3A : f32 to vector<256x1xf32>
    %add3A_13 = arith.addf %div3A_11, %add3A_12 : vector<256x1xf32>
    %sqrt3A = math.sqrt %add3A_13 : vector<256x1xf32>
    %div3A_14 = vector.broadcast %sqrt3A : vector<256x1xf32> to vector<256x768xf32>
    %div3A_15 = arith.divf %sub3A_5, %div3A_14 : vector<256x768xf32>
    %get3A_16 = arith.constant 0 : index
    %get3A_17 = arith.constant 0 : index
    %get3A_18 = vector.load %arg2[%get3A_16, %get3A_17] : memref<1x768xf32, #tpu.memory_space<vmem>>, vector<1x768xf32>
    %mul3A_19 = vector.broadcast %get3A_18 : vector<1x768xf32> to vector<256x768xf32>
    %mul3A_20 = arith.mulf %div3A_15, %mul3A_19 : vector<256x768xf32>
    %get3A_21 = arith.constant 0 : index
    %get3A_22 = arith.constant 0 : index
    %get3A_23 = vector.load %arg3[%get3A_21, %get3A_22] : memref<1x768xf32, #tpu.memory_space<vmem>>, vector<1x768xf32>
    %add3A_24 = vector.broadcast %get3A_23 : vector<1x768xf32> to vector<256x768xf32>
    %add3A_25 = arith.addf %mul3A_20, %add3A_24 : vector<256x768xf32>
    %get3A_26 = arith.constant 0 : index
    %get3A_27 = arith.constant 0 : index
    %get3A_28 = vector.load %arg4[%get3A_26, %get3A_27] : memref<768x16xf32, #tpu.memory_space<vmem>>, vector<768x16xf32>
    %mul3A_29 = arith.mulf %get3A_28, %get3A_28 : vector<768x16xf32>
    %reduce_sum3A_30 = arith.constant dense<0.000000e+00> : vector<768xf32>
    %reduce_sum3A_31 = vector.multi_reduction <add>, %mul3A_29, %reduce_sum3A_30 [1] : vector<768x16xf32> to vector<768xf32>
    %broadcast_in_dim3A_32 = vector.shape_cast %reduce_sum3A_31 : vector<768xf32> to vector<768x1xf32>
    %sqrt3A_33 = math.sqrt %broadcast_in_dim3A_32 : vector<768x1xf32>
    %max3A = arith.constant 9.99999996E-13 : f32
    %max3A_34 = vector.broadcast %max3A : f32 to vector<768x1xf32>
    %max3A_35 = arith.maximumf %sqrt3A_33, %max3A_34 : vector<768x1xf32>
    %div3A_36 = vector.broadcast %max3A_35 : vector<768x1xf32> to vector<768x16xf32>
    %div3A_37 = arith.divf %get3A_28, %div3A_36 : vector<768x16xf32>
    %convert_element_type3A = arith.truncf %add3A_25 : vector<256x768xf32> to vector<256x768xbf16>
    %convert_element_type3A_38 = arith.truncf %div3A_37 : vector<768x16xf32> to vector<768x16xbf16>
    %dot_general3A = arith.constant dense<0.000000e+00> : vector<256x16xf32>
    %dot_general3A_39 = tpu.matmul %convert_element_type3A, %convert_element_type3A_38, %dot_general3A {dimension_numbers = #tpu.dot_dimension_numbers<[1], [0], [0], [1], [0, 0, 1, 1], [], []>, transpose_lhs_hint = false} : vector<256x768xbf16>, vector<768x16xbf16>, vector<256x16xf32> -> vector<256x16xf32>
    %iota3A = tpu.iota {dimensions = array<i32: 1>} : vector<256x16xi32>
    %reduce_max3A = arith.constant dense<0xFF800000> : vector<256xf32>
    %reduce_max3A_40 = vector.multi_reduction <maximumf>, %dot_general3A_39, %reduce_max3A [1] : vector<256x16xf32> to vector<256xf32>
    %broadcast_in_dim3A_41 = vector.shape_cast %reduce_max3A_40 : vector<256xf32> to vector<256x1xf32>
    %eq3A = vector.broadcast %broadcast_in_dim3A_41 : vector<256x1xf32> to vector<256x16xf32>
    %eq3A_42 = arith.cmpf oeq, %dot_general3A_39, %eq3A : vector<256x16xf32>
    %jit3A = arith.constant 16 : i32
    %broadcast_in_dim3A_43 = vector.broadcast %jit3A : i32 to vector<256x16xi32>
    %select_n3A = arith.select %eq3A_42, %iota3A, %broadcast_in_dim3A_43 : vector<256x16xi1>, vector<256x16xi32>
    %reduce_min3A = arith.constant dense<2147483647> : vector<256xi32>
    %reduce_min3A_44 = vector.multi_reduction <minsi>, %select_n3A, %reduce_min3A [1] : vector<256x16xi32> to vector<256xi32>
    %broadcast_in_dim3A_45 = vector.shape_cast %reduce_min3A_44 : vector<256xi32> to vector<256x1xi32>
    %eq3A_46 = vector.broadcast %broadcast_in_dim3A_45 : vector<256x1xi32> to vector<256x16xi32>
    %eq3A_47 = arith.cmpi eq, %iota3A, %eq3A_46 : vector<256x16xi32>
    %jit3A_48 = arith.constant 0xFF800000 : f32
    %broadcast_in_dim3A_49 = vector.broadcast %jit3A_48 : f32 to vector<256x16xf32>
    %select_n3A_50 = arith.select %eq3A_47, %broadcast_in_dim3A_49, %dot_general3A_39 : vector<256x16xi1>, vector<256x16xf32>
    %reduce_max3A_51 = arith.constant dense<0xFF800000> : vector<256xf32>
    %reduce_max3A_52 = vector.multi_reduction <maximumf>, %select_n3A_50, %reduce_max3A_51 [1] : vector<256x16xf32> to vector<256xf32>
    %broadcast_in_dim3A_53 = vector.shape_cast %reduce_max3A_52 : vector<256xf32> to vector<256x1xf32>
    %eq3A_54 = vector.broadcast %broadcast_in_dim3A_53 : vector<256x1xf32> to vector<256x16xf32>
    %eq3A_55 = arith.cmpf oeq, %select_n3A_50, %eq3A_54 : vector<256x16xf32>
    %jit3A_56 = arith.constant 16 : i32
    %broadcast_in_dim3A_57 = vector.broadcast %jit3A_56 : i32 to vector<256x16xi32>
    %select_n3A_58 = arith.select %eq3A_55, %iota3A, %broadcast_in_dim3A_57 : vector<256x16xi1>, vector<256x16xi32>
    %reduce_min3A_59 = arith.constant dense<2147483647> : vector<256xi32>
    %reduce_min3A_60 = vector.multi_reduction <minsi>, %select_n3A_58, %reduce_min3A_59 [1] : vector<256x16xi32> to vector<256xi32>
    %broadcast_in_dim3A_61 = vector.shape_cast %reduce_min3A_60 : vector<256xi32> to vector<256x1xi32>
    %sub3A_62 = arith.subf %broadcast_in_dim3A_53, %broadcast_in_dim3A_41 : vector<256x1xf32>
    %exp3A = math.exp %sub3A_62 : vector<256x1xf32>
    %add3A_63 = arith.constant 1.000000e+00 : f32
    %add3A_64 = vector.broadcast %add3A_63 : f32 to vector<256x1xf32>
    %add3A_65 = arith.addf %add3A_64, %exp3A : vector<256x1xf32>
    %div3A_66 = arith.constant 1.000000e+00 : f32
    %div3A_67 = vector.broadcast %div3A_66 : f32 to vector<256x1xf32>
    %div3A_68 = arith.divf %div3A_67, %add3A_65 : vector<256x1xf32>
    %div3A_69 = arith.divf %exp3A, %add3A_65 : vector<256x1xf32>
    %eq3A_70 = vector.broadcast %broadcast_in_dim3A_45 : vector<256x1xi32> to vector<256x16xi32>
    %eq3A_71 = arith.cmpi eq, %iota3A, %eq3A_70 : vector<256x16xi32>
    %convert_element_type3A_72 = arith.extui %eq3A_71 : vector<256x16xi1> to vector<256x16xi32>
    %convert_element_type3A_73 = arith.sitofp %convert_element_type3A_72 : vector<256x16xi32> to vector<256x16xf32>
    %eq3A_74 = vector.broadcast %broadcast_in_dim3A_61 : vector<256x1xi32> to vector<256x16xi32>
    %eq3A_75 = arith.cmpi eq, %iota3A, %eq3A_74 : vector<256x16xi32>
    %convert_element_type3A_76 = arith.extui %eq3A_75 : vector<256x16xi1> to vector<256x16xi32>
    %convert_element_type3A_77 = arith.sitofp %convert_element_type3A_76 : vector<256x16xi32> to vector<256x16xf32>
    %concatenate3A = tpu.concatenate %convert_element_type3A_73, %convert_element_type3A_77 in 0 : vector<256x16xf32>, vector<256x16xf32> -> vector<512x16xf32>
    %iota3A_78 = tpu.iota {dimensions = array<i32: 0>} : vector<512x512xi32>
    %iota3A_79 = tpu.iota {dimensions = array<i32: 1>} : vector<512x512xi32>
    %lt3A = arith.cmpi slt, %iota3A_79, %iota3A_78 : vector<512x512xi32>
    %convert_element_type3A_80 = arith.extui %lt3A : vector<512x512xi1> to vector<512x512xi32>
    %convert_element_type3A_81 = arith.sitofp %convert_element_type3A_80 : vector<512x512xi32> to vector<512x512xf32>
    %convert_element_type3A_82 = arith.truncf %convert_element_type3A_81 : vector<512x512xf32> to vector<512x512xbf16>
    %convert_element_type3A_83 = arith.truncf %concatenate3A : vector<512x16xf32> to vector<512x16xbf16>
    %dot_general3A_84 = arith.constant dense<0.000000e+00> : vector<512x16xf32>
    %dot_general3A_85 = tpu.matmul %convert_element_type3A_82, %convert_element_type3A_83, %dot_general3A_84 {dimension_numbers = #tpu.dot_dimension_numbers<[1], [0], [0], [1], [0, 0, 1, 1], [], []>, transpose_lhs_hint = false} : vector<512x512xbf16>, vector<512x16xbf16>, vector<512x16xf32> -> vector<512x16xf32>
    %eq3A_86 = arith.constant 0 : i32
    %eq3A_87 = arith.cmpi eq, %arg0, %eq3A_86 : i32
    %convert_element_type3A_88 = arith.extui %eq3A_87 : i1 to i32
    %cond3A = arith.constant 0 : i32
    %cond3A_89 = arith.cmpi ne, %convert_element_type3A_88, %cond3A : i32
    scf.if %cond3A_89 {
      %broadcast_in_dim3A_128 = arith.constant 0.000000e+00 : f32
      %broadcast_in_dim3A_129 = vector.broadcast %broadcast_in_dim3A_128 : f32 to vector<1x16xf32>
      %swap3A_130 = arith.constant 0 : index
      %swap3A_131 = arith.constant 0 : index
      %swap3A_132 = vector.load %arg8[%swap3A_130, %swap3A_131] : memref<1x16xf32, #tpu.memory_space<vmem>>, vector<1x16xf32>
      tpu.vector_store %arg8[%swap3A_130, %swap3A_131], %broadcast_in_dim3A_129 {strides = array<i32>} : memref<1x16xf32, #tpu.memory_space<vmem>>, vector<1x16xf32>,
    } else {
    }
    %get3A_90 = arith.constant 0 : index
    %get3A_91 = arith.constant 0 : index
    %get3A_92 = vector.load %arg8[%get3A_90, %get3A_91] : memref<1x16xf32, #tpu.memory_space<vmem>>, vector<1x16xf32>
    %add3A_93 = vector.broadcast %get3A_92 : vector<1x16xf32> to vector<512x16xf32>
    %add3A_94 = arith.addf %dot_general3A_85, %add3A_93 : vector<512x16xf32>
    %mul3A_95 = arith.mulf %concatenate3A, %add3A_94 : vector<512x16xf32>
    %reduce_sum3A_96 = arith.constant dense<0.000000e+00> : vector<512xf32>
    %reduce_sum3A_97 = vector.multi_reduction <add>, %mul3A_95, %reduce_sum3A_96 [1] : vector<512x16xf32> to vector<512xf32>
    %broadcast_in_dim3A_98 = vector.shape_cast %reduce_sum3A_97 : vector<512xf32> to vector<512x1xf32>
    %reduce_sum3A_99 = arith.constant dense<0.000000e+00> : vector<16xf32>
    %reduce_sum3A_100 = vector.multi_reduction <add>, %concatenate3A, %reduce_sum3A_99 [0] : vector<512x16xf32> to vector<16xf32>
    %broadcast_in_dim3A_101 = vector.shape_cast %reduce_sum3A_100 : vector<16xf32> to vector<1x16xf32>
    %add3A_102 = arith.addf %get3A_92, %broadcast_in_dim3A_101 : vector<1x16xf32>
    %swap3A = arith.constant 0 : index
    %swap3A_103 = arith.constant 0 : index
    %swap3A_104 = vector.load %arg8[%swap3A, %swap3A_103] : memref<1x16xf32, #tpu.memory_space<vmem>>, vector<1x16xf32>
    tpu.vector_store %arg8[%swap3A, %swap3A_103], %add3A_102 {strides = array<i32>} : memref<1x16xf32, #tpu.memory_space<vmem>>, vector<1x16xf32>,
    %concatenate3A_105 = tpu.concatenate %broadcast_in_dim3A_45, %broadcast_in_dim3A_61 in 0 : vector<256x1xi32>, vector<256x1xi32> -> vector<512x1xi32>
    %mul3A_106 = arith.constant 4096 : i32
    %mul3A_107 = vector.broadcast %mul3A_106 : i32 to vector<512x1xi32>
    %mul3A_108 = arith.muli %concatenate3A_105, %mul3A_107 : vector<512x1xi32>
    %convert_element_type3A_109 = arith.fptosi %broadcast_in_dim3A_98 : vector<512x1xf32> to vector<512x1xi32>
    %add3A_110 = arith.addi %mul3A_108, %convert_element_type3A_109 : vector<512x1xi32>
    %reshape3A = vector.shape_cast %add3A_110 : vector<512x1xi32> to vector<2x256x1xi32>
    %swap3A_111 = arith.constant 0 : index
    %swap3A_112 = arith.constant 0 : index
    %swap3A_113 = arith.constant 0 : index
    %swap3A_114 = vector.load %arg5[%swap3A_111, %swap3A_112, %swap3A_113] : memref<2x256x1xi32, #tpu.memory_space<vmem>>, vector<2x256x1xi32>
    tpu.vector_store %arg5[%swap3A_111, %swap3A_112, %swap3A_113], %reshape3A {strides = array<i32>} : memref<2x256x1xi32, #tpu.memory_space<vmem>>, vector<2x256x1xi32>,
    %concatenate3A_115 = tpu.concatenate %div3A_68, %div3A_69 in 0 : vector<256x1xf32>, vector<256x1xf32> -> vector<512x1xf32>
    %reshape3A_116 = vector.shape_cast %concatenate3A_115 : vector<512x1xf32> to vector<2x256x1xf32>
    %swap3A_117 = arith.constant 0 : index
    %swap3A_118 = arith.constant 0 : index
    %swap3A_119 = arith.constant 0 : index
    %swap3A_120 = vector.load %arg7[%swap3A_117, %swap3A_118, %swap3A_119] : memref<2x256x1xf32, #tpu.memory_space<vmem>>, vector<2x256x1xf32>
    tpu.vector_store %arg7[%swap3A_117, %swap3A_118, %swap3A_119], %reshape3A_116 {strides = array<i32>} : memref<2x256x1xf32, #tpu.memory_space<vmem>>, vector<2x256x1xf32>,
    %get3A_121 = arith.constant 0 : index
    %get3A_122 = arith.constant 0 : index
    %get3A_123 = vector.load %arg8[%get3A_121, %get3A_122] : memref<1x16xf32, #tpu.memory_space<vmem>>, vector<1x16xf32>
    %convert_element_type3A_124 = arith.fptosi %get3A_123 : vector<1x16xf32> to vector<1x16xi32>
    %swap3A_125 = arith.constant 0 : index
    %swap3A_126 = arith.constant 0 : index
    %swap3A_127 = vector.load %arg6[%swap3A_125, %swap3A_126] : memref<1x16xi32, #tpu.memory_space<vmem>>, vector<1x16xi32>
    tpu.vector_store %arg6[%swap3A_125, %swap3A_126], %convert_element_type3A_124 {strides = array<i32>} : memref<1x16xi32, #tpu.memory_space<vmem>>, vector<1x16xi32>,
    return
  }
  func.func @transform_0(%arg0: i32) -> (i32, i32) {
    %c0_i32 = arith.constant 0 : i32
    %c0_i32_0 = arith.constant 0 : i32
    return %arg0, %c0_i32 : i32, i32
  }
  func.func @transform_1(%arg0: i32) -> (i32, i32) {
    %c0_i32 = arith.constant 0 : i32
    %c0_i32_0 = arith.constant 0 : i32
    %c0_i32_1 = arith.constant 0 : i32
    return %c0_i32, %c0_i32_0 : i32, i32
  }
  func.func @transform_2(%arg0: i32) -> (i32, i32) {
    %c0_i32 = arith.constant 0 : i32
    %c0_i32_0 = arith.constant 0 : i32
    %c0_i32_1 = arith.constant 0 : i32
    return %c0_i32, %c0_i32_0 : i32, i32
  }
  func.func @transform_3(%arg0: i32) -> (i32, i32) {
    %c0_i32 = arith.constant 0 : i32
    %c0_i32_0 = arith.constant 0 : i32
    %c0_i32_1 = arith.constant 0 : i32
    return %c0_i32, %c0_i32_0 : i32, i32
  }
  func.func @transform_4(%arg0: i32) -> (i32, i32, i32) {
    %c0_i32 = arith.constant 0 : i32
    %c0_i32_0 = arith.constant 0 : i32
    %c0_i32_1 = arith.constant 0 : i32
    return %c0_i32, %arg0, %c0_i32_0 : i32, i32, i32
  }
  func.func @transform_5(%arg0: i32) -> (i32, i32) {
    %c0_i32 = arith.constant 0 : i32
    %c0_i32_0 = arith.constant 0 : i32
    %c0_i32_1 = arith.constant 0 : i32
    return %c0_i32, %c0_i32_0 : i32, i32
  }
  func.func @transform_6(%arg0: i32) -> (i32, i32, i32) {
    %c0_i32 = arith.constant 0 : i32
    %c0_i32_0 = arith.constant 0 : i32
    %c0_i32_1 = arith.constant 0 : i32
    return %c0_i32, %arg0, %c0_i32_0 : i32, i32, i32
  }
}

module attributes {stable_mosaic.version = 14 : i64} {
  func.func @_gmm_body(%arg0: i32, %arg1: memref<1x16xi32, #tpu.memory_space<smem>>, %arg2: memref<4096x768xf32, #tpu.memory_space<vmem>>, %arg3: memref<1x768x768xf32, #tpu.memory_space<vmem>>, %arg4: memref<2x2048x1xi32, #tpu.memory_space<vmem>>, %arg5: memref<2x2048x1xf32, #tpu.memory_space<vmem>>, %arg6: memref<2048x768xf32, #tpu.memory_space<vmem>>, %arg7: memref<17xi32, #tpu.memory_space<smem>>, %arg8: memref<4096x768xbf16, #tpu.memory_space<vmem>>, %arg9: memref<1024x4096xbf16, #tpu.memory_space<vmem>>) attributes {dimension_semantics = [#tpu.dimension_semantics<arbitrary>], iteration_bounds = array<i64: 16>, scalar_prefetch = 1 : i64, scratch_operands = 3 : i64, tpu.core_type = #tpu.core_type<tc>, window_params = [{pipeline_mode = #tpu.pipeline_mode<synchronous>, transform_indices = @transform_0, window_bounds = array<i64: 4096, 768>}, {transform_indices = @transform_1, window_bounds = array<i64: 1, 768, 768>}, {pipeline_mode = #tpu.pipeline_mode<synchronous>, transform_indices = @transform_2, window_bounds = array<i64: 2, 2048, 1>}, {pipeline_mode = #tpu.pipeline_mode<synchronous>, transform_indices = @transform_3, window_bounds = array<i64: 2, 2048, 1>}, {pipeline_mode = #tpu.pipeline_mode<synchronous>, transform_indices = @transform_4, window_bounds = array<i64: 2048, 768>}]} {
    %eq3A = arith.constant 0 : i32
    %eq3A_0 = arith.cmpi eq, %arg0, %eq3A : i32
    %convert_element_type3A = arith.extui %eq3A_0 : i1 to i32
    %cond3A = arith.constant 0 : i32
    %cond3A_1 = arith.cmpi ne, %convert_element_type3A, %cond3A : i32
    scf.if %cond3A_1 {
      %scan3A = arith.constant 0 : i32
      %scan3A_72 = arith.constant 0 : i32
      %scan3A_73 = arith.constant 16 : i32
      %scan3A_74 = arith.addi %scan3A_72, %scan3A_73 : i32
      %scan3A_75 = arith.constant 1 : i32
      %scan3A_76 = scf.for %scan3A_83 = %scan3A_72 to %scan3A_74 step %scan3A_75 iter_args(%scan3A_84 = %scan3A) -> (i32)  : i32 {
        %swap3A_85 = arith.index_cast %scan3A_83 : i32 to index
        %swap3A_86 = memref.load %arg7[%swap3A_85] : memref<17xi32, #tpu.memory_space<smem>>
        memref.store %scan3A_84, %arg7[%swap3A_85] : memref<17xi32, #tpu.memory_space<smem>>
        %get3A_87 = arith.constant 0 : index
        %get3A_88 = arith.index_cast %scan3A_83 : i32 to index
        %get3A_89 = memref.load %arg1[%get3A_87, %get3A_88] : memref<1x16xi32, #tpu.memory_space<smem>>
        %add3A_90 = arith.addi %scan3A_84, %get3A_89 : i32
        scf.yield %add3A_90 : i32
      }
      %scan3A_77 = arith.constant 16 : i32
      %swap3A = arith.constant 16 : index
      %swap3A_78 = memref.load %arg7[%swap3A] : memref<17xi32, #tpu.memory_space<smem>>
      memref.store %scan3A_76, %arg7[%swap3A] : memref<17xi32, #tpu.memory_space<smem>>
      %broadcast_in_dim3A = arith.constant 0.000000e+00 : bf16
      %broadcast_in_dim3A_79 = vector.broadcast %broadcast_in_dim3A : bf16 to vector<4096x768xbf16>
      %swap3A_80 = arith.constant 0 : index
      %swap3A_81 = arith.constant 0 : index
      %swap3A_82 = vector.load %arg8[%swap3A_80, %swap3A_81] : memref<4096x768xbf16, #tpu.memory_space<vmem>>, vector<4096x768xbf16>
      tpu.vector_store %arg8[%swap3A_80, %swap3A_81], %broadcast_in_dim3A_79 {strides = array<i32>} : memref<4096x768xbf16, #tpu.memory_space<vmem>>, vector<4096x768xbf16>,
    } else {
    }
    %get3A = arith.index_cast %arg0 : i32 to index
    %get3A_2 = memref.load %arg7[%get3A] : memref<17xi32, #tpu.memory_space<smem>>
    %add3A = arith.constant 1 : i32
    %add3A_3 = arith.addi %arg0, %add3A : i32
    %get3A_4 = arith.index_cast %add3A_3 : i32 to index
    %get3A_5 = memref.load %arg7[%get3A_4] : memref<17xi32, #tpu.memory_space<smem>>
    %jit3A = arith.constant 16 : i32
    %div3A = arith.divsi %get3A_2, %jit3A : i32
    %sign3A = arith.constant 0 : i32
    %sign3A_6 = arith.cmpi sgt, %get3A_2, %sign3A : i32
    %sign3A_7 = arith.extui %sign3A_6 : i1 to i32
    %sign3A_8 = arith.constant 0 : i32
    %sign3A_9 = arith.cmpi slt, %get3A_2, %sign3A_8 : i32
    %sign3A_10 = arith.extui %sign3A_9 : i1 to i32
    %sign3A_11 = arith.subi %sign3A_7, %sign3A_10 : i32
    %sign3A_12 = arith.constant 0 : i32
    %sign3A_13 = arith.cmpi sgt, %jit3A, %sign3A_12 : i32
    %sign3A_14 = arith.extui %sign3A_13 : i1 to i32
    %sign3A_15 = arith.constant 0 : i32
    %sign3A_16 = arith.cmpi slt, %jit3A, %sign3A_15 : i32
    %sign3A_17 = arith.extui %sign3A_16 : i1 to i32
    %sign3A_18 = arith.subi %sign3A_14, %sign3A_17 : i32
    %ne3A = arith.cmpi ne, %sign3A_11, %sign3A_18 : i32
    %rem3A = arith.remsi %get3A_2, %jit3A : i32
    %ne3A_19 = arith.constant 0 : i32
    %ne3A_20 = arith.cmpi ne, %rem3A, %ne3A_19 : i32
    %and3A = arith.andi %ne3A, %ne3A_20 : i1
    %sub3A = arith.constant 1 : i32
    %sub3A_21 = arith.subi %div3A, %sub3A : i32
    %select_n3A = arith.select %and3A, %sub3A_21, %div3A : i32
    %mul3A = arith.constant 16 : i32
    %mul3A_22 = arith.muli %select_n3A, %mul3A : i32
    %gt3A = arith.cmpi sgt, %get3A_5, %get3A_2 : i32
    %sub3A_23 = arith.subi %get3A_5, %mul3A_22 : i32
    %add3A_24 = arith.constant 255 : i32
    %add3A_25 = arith.addi %sub3A_23, %add3A_24 : i32
    %jit3A_26 = arith.constant 256 : i32
    %div3A_27 = arith.divsi %add3A_25, %jit3A_26 : i32
    %sign3A_28 = arith.constant 0 : i32
    %sign3A_29 = arith.cmpi sgt, %add3A_25, %sign3A_28 : i32
    %sign3A_30 = arith.extui %sign3A_29 : i1 to i32
    %sign3A_31 = arith.constant 0 : i32
    %sign3A_32 = arith.cmpi slt, %add3A_25, %sign3A_31 : i32
    %sign3A_33 = arith.extui %sign3A_32 : i1 to i32
    %sign3A_34 = arith.subi %sign3A_30, %sign3A_33 : i32
    %sign3A_35 = arith.constant 0 : i32
    %sign3A_36 = arith.cmpi sgt, %jit3A_26, %sign3A_35 : i32
    %sign3A_37 = arith.extui %sign3A_36 : i1 to i32
    %sign3A_38 = arith.constant 0 : i32
    %sign3A_39 = arith.cmpi slt, %jit3A_26, %sign3A_38 : i32
    %sign3A_40 = arith.extui %sign3A_39 : i1 to i32
    %sign3A_41 = arith.subi %sign3A_37, %sign3A_40 : i32
    %ne3A_42 = arith.cmpi ne, %sign3A_34, %sign3A_41 : i32
    %rem3A_43 = arith.remsi %add3A_25, %jit3A_26 : i32
    %ne3A_44 = arith.constant 0 : i32
    %ne3A_45 = arith.cmpi ne, %rem3A_43, %ne3A_44 : i32
    %and3A_46 = arith.andi %ne3A_42, %ne3A_45 : i1
    %sub3A_47 = arith.constant 1 : i32
    %sub3A_48 = arith.subi %div3A_27, %sub3A_47 : i32
    %select_n3A_49 = arith.select %and3A_46, %sub3A_48, %div3A_27 : i32
    %jit3A_50 = arith.constant 0 : i32
    %select_n3A_51 = arith.select %gt3A, %select_n3A_49, %jit3A_50 : i32
    %get3A_52 = arith.constant 0 : index
    %get3A_53 = arith.constant 0 : index
    %get3A_54 = arith.constant 0 : index
    %get3A_55 = vector.load %arg3[%get3A_52, %get3A_53, %get3A_54] : memref<1x768x768xf32, #tpu.memory_space<vmem>>, vector<1x768x768xf32>
    %get3A_56 = vector.shape_cast %get3A_55 : vector<1x768x768xf32> to vector<768x768xf32>
    %convert_element_type3A_57 = arith.truncf %get3A_56 : vector<768x768xf32> to vector<768x768xbf16>
    %while3A = arith.constant 0 : i32
    %while3A_58 = arith.constant 0 : i32
    %while3A_59 = arith.subi %select_n3A_51, %while3A_58 : i32
    %while3A_60 = arith.addi %while3A_58, %while3A_59 : i32
    %while3A_61 = arith.constant 1 : i32
    %while3A_62 = arith.divsi %while3A_59, %while3A_61 : i32
    %while3A_63 = arith.muli %while3A_62, %while3A_61 : i32
    %while3A_64 = arith.addi %while3A_58, %while3A_63 : i32
    %while3A_65 = arith.constant 1 : i32
    scf.for %while3A_72 = %while3A_58 to %while3A_64 step %while3A_65  : i32 {
      %mul3A_73 = arith.constant 256 : i32
      %mul3A_74 = arith.muli %while3A_72, %mul3A_73 : i32
      %add3A_75 = arith.addi %mul3A_22, %mul3A_74 : i32
      %min3A = arith.constant 3840 : i32
      %min3A_76 = arith.minsi %add3A_75, %min3A : i32
      %multiple_of3A = tpu.assume_multiple %min3A_76, 16 : i32
      %iota3A = tpu.iota {dimensions = array<i32: 0>} : vector<256x1xi32>
      %add3A_77 = vector.broadcast %multiple_of3A : i32 to vector<256x1xi32>
      %add3A_78 = arith.addi %add3A_77, %iota3A : vector<256x1xi32>
      %max3A = arith.maxsi %add3A_75, %get3A_2 : i32
      %add3A_79 = arith.constant 256 : i32
      %add3A_80 = arith.addi %add3A_75, %add3A_79 : i32
      %min3A_81 = arith.minsi %add3A_80, %get3A_5 : i32
      %ge3A = vector.broadcast %max3A : i32 to vector<256x1xi32>
      %ge3A_82 = arith.cmpi sge, %add3A_78, %ge3A : vector<256x1xi32>
      %lt3A = vector.broadcast %min3A_81 : i32 to vector<256x1xi32>
      %lt3A_83 = arith.cmpi slt, %add3A_78, %lt3A : vector<256x1xi32>
      %and3A_84 = arith.andi %ge3A_82, %lt3A_83 : vector<256x1xi1>
      %get3A_85 = arith.index_cast %multiple_of3A : i32 to index
      %get3A_86 = arith.constant 0 : index
      %get3A_87 = vector.load %arg2[%get3A_85, %get3A_86] : memref<4096x768xf32, #tpu.memory_space<vmem>>, vector<256x768xf32>
      %jit3A_88 = arith.constant 0.000000e+00 : f32
      %broadcast_in_dim3A = vector.shape_cast %and3A_84 : vector<256x1xi1> to vector<256x1xi1>
      %broadcast_in_dim3A_89 = vector.broadcast %broadcast_in_dim3A : vector<256x1xi1> to vector<256x768xi1>
      %broadcast_in_dim3A_90 = vector.broadcast %jit3A_88 : f32 to vector<256x768xf32>
      %select_n3A_91 = arith.select %broadcast_in_dim3A_89, %get3A_87, %broadcast_in_dim3A_90 : vector<256x768xi1>, vector<256x768xf32>
      %convert_element_type3A_92 = arith.truncf %select_n3A_91 : vector<256x768xf32> to vector<256x768xbf16>
      %dot_general3A = arith.constant dense<0.000000e+00> : vector<256x768xf32>
      %dot_general3A_93 = tpu.matmul %convert_element_type3A_92, %convert_element_type3A_57, %dot_general3A {dimension_numbers = #tpu.dot_dimension_numbers<[1], [1], [0], [0], [0, 0, 1, 0], [], []>, transpose_lhs_hint = false} : vector<256x768xbf16>, vector<768x768xbf16>, vector<256x768xf32> -> vector<256x768xf32>
      %get3A_94 = arith.index_cast %multiple_of3A : i32 to index
      %get3A_95 = arith.constant 0 : index
      %get3A_96 = vector.load %arg8[%get3A_94, %get3A_95] : memref<4096x768xbf16, #tpu.memory_space<vmem>>, vector<256x768xbf16>
      %convert_element_type3A_97 = arith.truncf %dot_general3A_93 : vector<256x768xf32> to vector<256x768xbf16>
      %add3A_98 = arith.addf %get3A_96, %convert_element_type3A_97 : vector<256x768xbf16>
      %swap3A = arith.index_cast %multiple_of3A : i32 to index
      %swap3A_99 = arith.constant 0 : index
      %swap3A_100 = vector.load %arg8[%swap3A, %swap3A_99] : memref<4096x768xbf16, #tpu.memory_space<vmem>>, vector<256x768xbf16>
      tpu.vector_store %arg8[%swap3A, %swap3A_99], %add3A_98 {strides = array<i32>} : memref<4096x768xbf16, #tpu.memory_space<vmem>>, vector<256x768xbf16>,
    }
    %while3A_66 = arith.constant 1 : i32
    scf.for %while3A_72 = %while3A_64 to %while3A_60 step %while3A_66  : i32 {
      %mul3A_73 = arith.constant 256 : i32
      %mul3A_74 = arith.muli %while3A_72, %mul3A_73 : i32
      %add3A_75 = arith.addi %mul3A_22, %mul3A_74 : i32
      %min3A = arith.constant 3840 : i32
      %min3A_76 = arith.minsi %add3A_75, %min3A : i32
      %multiple_of3A = tpu.assume_multiple %min3A_76, 16 : i32
      %iota3A = tpu.iota {dimensions = array<i32: 0>} : vector<256x1xi32>
      %add3A_77 = vector.broadcast %multiple_of3A : i32 to vector<256x1xi32>
      %add3A_78 = arith.addi %add3A_77, %iota3A : vector<256x1xi32>
      %max3A = arith.maxsi %add3A_75, %get3A_2 : i32
      %add3A_79 = arith.constant 256 : i32
      %add3A_80 = arith.addi %add3A_75, %add3A_79 : i32
      %min3A_81 = arith.minsi %add3A_80, %get3A_5 : i32
      %ge3A = vector.broadcast %max3A : i32 to vector<256x1xi32>
      %ge3A_82 = arith.cmpi sge, %add3A_78, %ge3A : vector<256x1xi32>
      %lt3A = vector.broadcast %min3A_81 : i32 to vector<256x1xi32>
      %lt3A_83 = arith.cmpi slt, %add3A_78, %lt3A : vector<256x1xi32>
      %and3A_84 = arith.andi %ge3A_82, %lt3A_83 : vector<256x1xi1>
      %get3A_85 = arith.index_cast %multiple_of3A : i32 to index
      %get3A_86 = arith.constant 0 : index
      %get3A_87 = vector.load %arg2[%get3A_85, %get3A_86] : memref<4096x768xf32, #tpu.memory_space<vmem>>, vector<256x768xf32>
      %jit3A_88 = arith.constant 0.000000e+00 : f32
      %broadcast_in_dim3A = vector.shape_cast %and3A_84 : vector<256x1xi1> to vector<256x1xi1>
      %broadcast_in_dim3A_89 = vector.broadcast %broadcast_in_dim3A : vector<256x1xi1> to vector<256x768xi1>
      %broadcast_in_dim3A_90 = vector.broadcast %jit3A_88 : f32 to vector<256x768xf32>
      %select_n3A_91 = arith.select %broadcast_in_dim3A_89, %get3A_87, %broadcast_in_dim3A_90 : vector<256x768xi1>, vector<256x768xf32>
      %convert_element_type3A_92 = arith.truncf %select_n3A_91 : vector<256x768xf32> to vector<256x768xbf16>
      %dot_general3A = arith.constant dense<0.000000e+00> : vector<256x768xf32>
      %dot_general3A_93 = tpu.matmul %convert_element_type3A_92, %convert_element_type3A_57, %dot_general3A {dimension_numbers = #tpu.dot_dimension_numbers<[1], [1], [0], [0], [0, 0, 1, 0], [], []>, transpose_lhs_hint = false} : vector<256x768xbf16>, vector<768x768xbf16>, vector<256x768xf32> -> vector<256x768xf32>
      %get3A_94 = arith.index_cast %multiple_of3A : i32 to index
      %get3A_95 = arith.constant 0 : index
      %get3A_96 = vector.load %arg8[%get3A_94, %get3A_95] : memref<4096x768xbf16, #tpu.memory_space<vmem>>, vector<256x768xbf16>
      %convert_element_type3A_97 = arith.truncf %dot_general3A_93 : vector<256x768xf32> to vector<256x768xbf16>
      %add3A_98 = arith.addf %get3A_96, %convert_element_type3A_97 : vector<256x768xbf16>
      %swap3A = arith.index_cast %multiple_of3A : i32 to index
      %swap3A_99 = arith.constant 0 : index
      %swap3A_100 = vector.load %arg8[%swap3A, %swap3A_99] : memref<4096x768xbf16, #tpu.memory_space<vmem>>, vector<256x768xbf16>
      tpu.vector_store %arg8[%swap3A, %swap3A_99], %add3A_98 {strides = array<i32>} : memref<4096x768xbf16, #tpu.memory_space<vmem>>, vector<256x768xbf16>,
    }
    %eq3A_67 = arith.constant 15 : i32
    %eq3A_68 = arith.cmpi eq, %arg0, %eq3A_67 : i32
    %convert_element_type3A_69 = arith.extui %eq3A_68 : i1 to i32
    %cond3A_70 = arith.constant 0 : i32
    %cond3A_71 = arith.cmpi ne, %convert_element_type3A_69, %cond3A_70 : i32
    scf.if %cond3A_71 {
      %get3A_72 = arith.constant 0 : index
      %get3A_73 = arith.constant 0 : index
      %get3A_74 = vector.load %arg8[%get3A_72, %get3A_73] : memref<4096x768xbf16, #tpu.memory_space<vmem>>, vector<4096x768xbf16>
      %iota3A = tpu.iota {dimensions = array<i32: 1>} : vector<1024x4096xi32>
      %get3A_75 = arith.constant 0 : index
      %get3A_76 = arith.constant 0 : index
      %get3A_77 = arith.constant 0 : index
      %get3A_78 = vector.load %arg4[%get3A_75, %get3A_76, %get3A_77] : memref<2x2048x1xi32, #tpu.memory_space<vmem>>, vector<1x1024x1xi32>
      %get3A_79 = vector.shape_cast %get3A_78 : vector<1x1024x1xi32> to vector<1024x1xi32>
      %get3A_80 = arith.constant 1 : index
      %get3A_81 = arith.constant 0 : index
      %get3A_82 = arith.constant 0 : index
      %get3A_83 = vector.load %arg4[%get3A_80, %get3A_81, %get3A_82] : memref<2x2048x1xi32, #tpu.memory_space<vmem>>, vector<1x1024x1xi32>
      %get3A_84 = vector.shape_cast %get3A_83 : vector<1x1024x1xi32> to vector<1024x1xi32>
      %get3A_85 = arith.constant 0 : index
      %get3A_86 = arith.constant 0 : index
      %get3A_87 = arith.constant 0 : index
      %get3A_88 = vector.load %arg5[%get3A_85, %get3A_86, %get3A_87] : memref<2x2048x1xf32, #tpu.memory_space<vmem>>, vector<1x1024x1xf32>
      %get3A_89 = vector.shape_cast %get3A_88 : vector<1x1024x1xf32> to vector<1024x1xf32>
      %get3A_90 = arith.constant 1 : index
      %get3A_91 = arith.constant 0 : index
      %get3A_92 = arith.constant 0 : index
      %get3A_93 = vector.load %arg5[%get3A_90, %get3A_91, %get3A_92] : memref<2x2048x1xf32, #tpu.memory_space<vmem>>, vector<1x1024x1xf32>
      %get3A_94 = vector.shape_cast %get3A_93 : vector<1x1024x1xf32> to vector<1024x1xf32>
      %eq3A_95 = vector.broadcast %get3A_79 : vector<1024x1xi32> to vector<1024x4096xi32>
      %eq3A_96 = arith.cmpi eq, %iota3A, %eq3A_95 : vector<1024x4096xi32>
      %jit3A_97 = arith.constant 0.000000e+00 : f32
      %broadcast_in_dim3A = vector.shape_cast %get3A_89 : vector<1024x1xf32> to vector<1024x1xf32>
      %broadcast_in_dim3A_98 = vector.broadcast %broadcast_in_dim3A : vector<1024x1xf32> to vector<1024x4096xf32>
      %broadcast_in_dim3A_99 = vector.broadcast %jit3A_97 : f32 to vector<1024x4096xf32>
      %select_n3A_100 = arith.select %eq3A_96, %broadcast_in_dim3A_98, %broadcast_in_dim3A_99 : vector<1024x4096xi1>, vector<1024x4096xf32>
      %eq3A_101 = vector.broadcast %get3A_84 : vector<1024x1xi32> to vector<1024x4096xi32>
      %eq3A_102 = arith.cmpi eq, %iota3A, %eq3A_101 : vector<1024x4096xi32>
      %jit3A_103 = arith.constant 0.000000e+00 : f32
      %broadcast_in_dim3A_104 = vector.shape_cast %get3A_94 : vector<1024x1xf32> to vector<1024x1xf32>
      %broadcast_in_dim3A_105 = vector.broadcast %broadcast_in_dim3A_104 : vector<1024x1xf32> to vector<1024x4096xf32>
      %broadcast_in_dim3A_106 = vector.broadcast %jit3A_103 : f32 to vector<1024x4096xf32>
      %select_n3A_107 = arith.select %eq3A_102, %broadcast_in_dim3A_105, %broadcast_in_dim3A_106 : vector<1024x4096xi1>, vector<1024x4096xf32>
      %add3A_108 = arith.addf %select_n3A_100, %select_n3A_107 : vector<1024x4096xf32>
      %convert_element_type3A_109 = arith.truncf %add3A_108 : vector<1024x4096xf32> to vector<1024x4096xbf16>
      %swap3A = arith.constant 0 : index
      %swap3A_110 = arith.constant 0 : index
      %swap3A_111 = vector.load %arg9[%swap3A, %swap3A_110] : memref<1024x4096xbf16, #tpu.memory_space<vmem>>, vector<1024x4096xbf16>
      tpu.vector_store %arg9[%swap3A, %swap3A_110], %convert_element_type3A_109 {strides = array<i32>} : memref<1024x4096xbf16, #tpu.memory_space<vmem>>, vector<1024x4096xbf16>,
      %get3A_112 = arith.constant 0 : index
      %get3A_113 = arith.constant 0 : index
      %get3A_114 = vector.load %arg9[%get3A_112, %get3A_113] : memref<1024x4096xbf16, #tpu.memory_space<vmem>>, vector<1024x4096xbf16>
      %dot_general3A = arith.constant dense<0.000000e+00> : vector<1024x768xf32>
      %dot_general3A_115 = tpu.matmul %get3A_114, %get3A_74, %dot_general3A {dimension_numbers = #tpu.dot_dimension_numbers<[1], [0], [0], [1], [0, 0, 1, 1], [], []>, transpose_lhs_hint = false} : vector<1024x4096xbf16>, vector<4096x768xbf16>, vector<1024x768xf32> -> vector<1024x768xf32>
      %swap3A_116 = arith.constant 0 : index
      %swap3A_117 = arith.constant 0 : index
      %swap3A_118 = vector.load %arg6[%swap3A_116, %swap3A_117] : memref<2048x768xf32, #tpu.memory_space<vmem>>, vector<1024x768xf32>
      tpu.vector_store %arg6[%swap3A_116, %swap3A_117], %dot_general3A_115 {strides = array<i32>} : memref<2048x768xf32, #tpu.memory_space<vmem>>, vector<1024x768xf32>,
      %get3A_119 = arith.constant 0 : index
      %get3A_120 = arith.constant 1024 : index
      %get3A_121 = arith.constant 0 : index
      %get3A_122 = vector.load %arg4[%get3A_119, %get3A_120, %get3A_121] : memref<2x2048x1xi32, #tpu.memory_space<vmem>>, vector<1x1024x1xi32>
      %get3A_123 = vector.shape_cast %get3A_122 : vector<1x1024x1xi32> to vector<1024x1xi32>
      %get3A_124 = arith.constant 1 : index
      %get3A_125 = arith.constant 1024 : index
      %get3A_126 = arith.constant 0 : index
      %get3A_127 = vector.load %arg4[%get3A_124, %get3A_125, %get3A_126] : memref<2x2048x1xi32, #tpu.memory_space<vmem>>, vector<1x1024x1xi32>
      %get3A_128 = vector.shape_cast %get3A_127 : vector<1x1024x1xi32> to vector<1024x1xi32>
      %get3A_129 = arith.constant 0 : index
      %get3A_130 = arith.constant 1024 : index
      %get3A_131 = arith.constant 0 : index
      %get3A_132 = vector.load %arg5[%get3A_129, %get3A_130, %get3A_131] : memref<2x2048x1xf32, #tpu.memory_space<vmem>>, vector<1x1024x1xf32>
      %get3A_133 = vector.shape_cast %get3A_132 : vector<1x1024x1xf32> to vector<1024x1xf32>
      %get3A_134 = arith.constant 1 : index
      %get3A_135 = arith.constant 1024 : index
      %get3A_136 = arith.constant 0 : index
      %get3A_137 = vector.load %arg5[%get3A_134, %get3A_135, %get3A_136] : memref<2x2048x1xf32, #tpu.memory_space<vmem>>, vector<1x1024x1xf32>
      %get3A_138 = vector.shape_cast %get3A_137 : vector<1x1024x1xf32> to vector<1024x1xf32>
      %eq3A_139 = vector.broadcast %get3A_123 : vector<1024x1xi32> to vector<1024x4096xi32>
      %eq3A_140 = arith.cmpi eq, %iota3A, %eq3A_139 : vector<1024x4096xi32>
      %jit3A_141 = arith.constant 0.000000e+00 : f32
      %broadcast_in_dim3A_142 = vector.shape_cast %get3A_133 : vector<1024x1xf32> to vector<1024x1xf32>
      %broadcast_in_dim3A_143 = vector.broadcast %broadcast_in_dim3A_142 : vector<1024x1xf32> to vector<1024x4096xf32>
      %broadcast_in_dim3A_144 = vector.broadcast %jit3A_141 : f32 to vector<1024x4096xf32>
      %select_n3A_145 = arith.select %eq3A_140, %broadcast_in_dim3A_143, %broadcast_in_dim3A_144 : vector<1024x4096xi1>, vector<1024x4096xf32>
      %eq3A_146 = vector.broadcast %get3A_128 : vector<1024x1xi32> to vector<1024x4096xi32>
      %eq3A_147 = arith.cmpi eq, %iota3A, %eq3A_146 : vector<1024x4096xi32>
      %jit3A_148 = arith.constant 0.000000e+00 : f32
      %broadcast_in_dim3A_149 = vector.shape_cast %get3A_138 : vector<1024x1xf32> to vector<1024x1xf32>
      %broadcast_in_dim3A_150 = vector.broadcast %broadcast_in_dim3A_149 : vector<1024x1xf32> to vector<1024x4096xf32>
      %broadcast_in_dim3A_151 = vector.broadcast %jit3A_148 : f32 to vector<1024x4096xf32>
      %select_n3A_152 = arith.select %eq3A_147, %broadcast_in_dim3A_150, %broadcast_in_dim3A_151 : vector<1024x4096xi1>, vector<1024x4096xf32>
      %add3A_153 = arith.addf %select_n3A_145, %select_n3A_152 : vector<1024x4096xf32>
      %convert_element_type3A_154 = arith.truncf %add3A_153 : vector<1024x4096xf32> to vector<1024x4096xbf16>
      %swap3A_155 = arith.constant 0 : index
      %swap3A_156 = arith.constant 0 : index
      %swap3A_157 = vector.load %arg9[%swap3A_155, %swap3A_156] : memref<1024x4096xbf16, #tpu.memory_space<vmem>>, vector<1024x4096xbf16>
      tpu.vector_store %arg9[%swap3A_155, %swap3A_156], %convert_element_type3A_154 {strides = array<i32>} : memref<1024x4096xbf16, #tpu.memory_space<vmem>>, vector<1024x4096xbf16>,
      %get3A_158 = arith.constant 0 : index
      %get3A_159 = arith.constant 0 : index
      %get3A_160 = vector.load %arg9[%get3A_158, %get3A_159] : memref<1024x4096xbf16, #tpu.memory_space<vmem>>, vector<1024x4096xbf16>
      %dot_general3A_161 = arith.constant dense<0.000000e+00> : vector<1024x768xf32>
      %dot_general3A_162 = tpu.matmul %get3A_160, %get3A_74, %dot_general3A_161 {dimension_numbers = #tpu.dot_dimension_numbers<[1], [0], [0], [1], [0, 0, 1, 1], [], []>, transpose_lhs_hint = false} : vector<1024x4096xbf16>, vector<4096x768xbf16>, vector<1024x768xf32> -> vector<1024x768xf32>
      %swap3A_163 = arith.constant 1024 : index
      %swap3A_164 = arith.constant 0 : index
      %swap3A_165 = vector.load %arg6[%swap3A_163, %swap3A_164] : memref<2048x768xf32, #tpu.memory_space<vmem>>, vector<1024x768xf32>
      tpu.vector_store %arg6[%swap3A_163, %swap3A_164], %dot_general3A_162 {strides = array<i32>} : memref<2048x768xf32, #tpu.memory_space<vmem>>, vector<1024x768xf32>,
    } else {
    }
    return
  }
  func.func @transform_0(%arg0: i32, %arg1: memref<1x16xi32, #tpu.memory_space<smem>>) -> (i32, i32) {
    %c0_i32 = arith.constant 0 : i32
    %c0_i32_0 = arith.constant 0 : i32
    %c0_i32_1 = arith.constant 0 : i32
    return %c0_i32, %c0_i32_0 : i32, i32
  }
  func.func @transform_1(%arg0: i32, %arg1: memref<1x16xi32, #tpu.memory_space<smem>>) -> (i32, i32, i32) {
    %c0_i32 = arith.constant 0 : i32
    %c0_i32_0 = arith.constant 0 : i32
    %c0_i32_1 = arith.constant 0 : i32
    return %arg0, %c0_i32, %c0_i32_0 : i32, i32, i32
  }
  func.func @transform_2(%arg0: i32, %arg1: memref<1x16xi32, #tpu.memory_space<smem>>) -> (i32, i32, i32) {
    %c0_i32 = arith.constant 0 : i32
    %c0_i32_0 = arith.constant 0 : i32
    %c0_i32_1 = arith.constant 0 : i32
    %c0_i32_2 = arith.constant 0 : i32
    return %c0_i32, %c0_i32_0, %c0_i32_1 : i32, i32, i32
  }
  func.func @transform_3(%arg0: i32, %arg1: memref<1x16xi32, #tpu.memory_space<smem>>) -> (i32, i32, i32) {
    %c0_i32 = arith.constant 0 : i32
    %c0_i32_0 = arith.constant 0 : i32
    %c0_i32_1 = arith.constant 0 : i32
    %c0_i32_2 = arith.constant 0 : i32
    return %c0_i32, %c0_i32_0, %c0_i32_1 : i32, i32, i32
  }
  func.func @transform_4(%arg0: i32, %arg1: memref<1x16xi32, #tpu.memory_space<smem>>) -> (i32, i32) {
    %c0_i32 = arith.constant 0 : i32
    %c0_i32_0 = arith.constant 0 : i32
    %c0_i32_1 = arith.constant 0 : i32
    return %c0_i32, %c0_i32_0 : i32, i32
  }
}

</mosaic_0001>

<sc_bundles>
// kernel: kernel.5.cloned.1.call-start
scs
__scs_entry_jumppad:
0x0: {  	(pc) =	sbr.rel $0x88, $3  }
0x1: {  	(tag) =	ssettag $0x0;
	lr =	simm.s32 $0x1  }
0x2: {  	[smem:$0x3F9C] =	sst lr;
	_ =	strace $0xD0000000  }
0x3: {  	_ = 	snop  }
0x4: {  	_ = 	snop  }
0x5: {  	_ = 	snop  }
0x6: {  	_ = 	snop  }
0x7: {  	_ = 	snop  }
__scs_overlays_trampoline_lowered:
0x8: {  	[smem:$0x3FAB] =	sst s0  }
0x9: {  	[smem:$0x3FAC] =	sst s1  }
0xa: {  	[smem:$0x3FAD] =	sst s2  }
0xb: {  	[smem:$0x3FAE] =	sst s3  }
0xc: {  	[smem:$0x3FAF] =	sst s4  }
0xd: {  	[smem:$0x3FB0] =	sst s5  }
0xe: {  	[smem:$0x3FB1] =	sst s6  }
0xf: {  	[smem:$0x3FB2] =	sst s7  }
0x10: {  	[smem:$0x3FB3] =	sst s8  }
0x11: {  	[smem:$0x3FB4] =	sst s9;
	s0 =	simm.s32 @!p0 $0x0  }
0x12: {  	s1 =	sld [smem:$0x3F9A];
	s0 =	simm.s32 @p0 $0x1  }
0x13: {  	[smem:$0x3FB5] =	sst s0;
	s0 =	simm.s32 @!p1 $0x0  }
0x14: {  	s2 =	sld [smem:$0x3F99];
	s0 =	simm.s32 @p1 $0x1  }
0x15: {  	[smem:$0x3FB6] =	sst s0;
	s0 =	simm.s32 @!p2 $0x0  }
0x16: {  	s3 =	sld [smem:$0x3FDB];
	s0 =	simm.s32 @p2 $0x1  }
0x17: {  	s4 =	simm.s32 $0x1BF5;
	[smem:$0x3FB8] =	sst s0  }
0x18: {  	s0 =	sld [smem:$0x3F9B];
	_ =	swait.ge [sflag:s4], $0x0  }
0x19: {  	s7 =	sld [smem:$0x3F9C]  }
0x1a: {  	s8 =	sadd.s32 $0xFFFFE003, lr  }
0x1b: {  	s9 =	sadd.s32 $0xFFFFFEF7, lr;
	s5 =	simm.s32 $0xFFFFFFFF;
	p2 =	slt.u32 s8, $0xFFFFF086  }
0x1c: {  	p1 =	slt.u32 s9, $0xF7A;
	s5 =	simm.s32 @!p2 $0x0  }
0x1d: {  	s5 =	simm.s32 @p1 $0x1;
	p0 =	seq.s32 s7, s2  }
0x1e: {  	s7 =	smul.u32 @!p0 $0xF7A, s2;
	p2 =	seq.s32 @!p0 s5, $0x0  }
0x1f: {  	s9 =	smul.u32 $0xF7A, s1;
	s8 =	simm.s32 @!p0 $0x1BF5;
	p2 =	por !p2, p0  }
0x20: {  	[sflag:s8] =	ssyncset.s32 @!p0 $0xFFFFF086;
	s6 =	sadd.s32 @!p0 s3, s7;
	s7 =	simm.s32 @!p0 $0x108  }
0x21: {  	s3 =	sadd.s32 s3, s9;
	s6 =	sadd.s32 @!p0 $0x88, s6;
	s7 =	simm.s32 @p2 $0x1082  }
0x22: {  	[simem:s7], [sflag:s8] =	dma.local @!p0 [hbm:s6], $0xF7A  }
0x23: {  	s9 =	sor.u32 $0xD0000000, s2;
	s6 =	simm.s32 $0x108;
	_ =	swait.ge @!p0 [sflag:s8], $0x0  }
0x24: {  	s3 =	sadd.s32 $0x88, s3;
	s6 =	simm.s32 @!p1 $0x1082;
	[sflag:s4] =	ssyncset.s32 $0xFFFFF086  }
0x25: {  	[simem:s6], [sflag:s4] =	dma.local [hbm:s3], $0xF7A  }
0x26: {  	[smem:$0x3F9C] =	sst s1;
	(tag) =	ssettag s2;
	_ =	strace s9  }
0x27: {  	s1 =	sld [smem:$0x3FAC]  }
0x28: {  	s2 =	sld [smem:$0x3FAD]  }
0x29: {  	s4 =	sld [smem:$0x3FAF]  }
0x2a: {  	p0 =	seq.s32 s5, $0x0;
	s5 =	sld [smem:$0x3FB0]  }
0x2b: {  	s6 =	sld [smem:$0x3FB1]  }
0x2c: {  	s7 =	sld [smem:$0x3FB2]  }
0x2d: {  	s3 =	simm.s32 $0x108;
	s8 =	sld [smem:$0x3FB3]  }
0x2e: {  	s3 =	simm.s32 @!p0 $0x1082;
	s9 =	sld [smem:$0x3FB4]  }
0x2f: {  	lr =	sadd.s32 s0, s3;
	s0 =	sld [smem:$0x3FAB]  }
0x30: {  	s3 =	sld [smem:$0x3FAE]  }
0x31: {  	[smem:$0x3FB7] =	sst s10  }
0x32: {  	s10 =	sld [smem:$0x3FB5];
	_ =	sdelay $0x3  }
0x33: {  	p0 =	seq.s32 s10, $0x1;
	s10 =	sld [smem:$0x3FB7];
	_ =	sdelay $0x3  }
0x34: {  	[smem:$0x3FB7] =	sst s10  }
0x35: {  	s10 =	sld [smem:$0x3FB6];
	_ =	sdelay $0x3  }
0x36: {  	p1 =	seq.s32 s10, $0x1;
	s10 =	sld [smem:$0x3FB7];
	_ =	sdelay $0x3  }
0x37: {  	[smem:$0x3FB7] =	sst s10  }
0x38: {  	s10 =	sld [smem:$0x3FB8]  }
0x39: {  	_ = 	snop;
	(pc) =	sbr.ind lr, $3  }
0x3a: {  	_ = 	snop  }
0x3b: {  	_ = 	snop  }
0x3c: {  	p2 =	seq.s32 s10, $0x1;
	s10 =	sld [smem:$0x3FB7]  }
0x3d: {  	_ =	shalt  }
0x3e: {  	_ =	shalt  }
0x3f: {  	_ =	shalt  }
0x40: {  	_ =	shalt  }
0x41: {  	_ =	shalt  }
0x42: {  	_ =	shalt  }
0x43: {  	_ =	shalt  }
0x44: {  	_ =	shalt  }
0x45: {  	_ =	shalt  }
0x46: {  	_ =	shalt  }
0x47: {  	_ =	shalt  }
0x48: {  	_ =	shalt  }
0x49: {  	_ =	shalt  }
0x4a: {  	_ =	shalt  }
0x4b: {  	_ =	shalt  }
0x4c: {  	_ =	shalt  }
0x4d: {  	_ =	shalt  }
0x4e: {  	_ =	shalt  }
0x4f: {  	_ =	shalt  }
0x50: {  	_ =	shalt  }
0x51: {  	_ =	shalt  }
0x52: {  	_ =	shalt  }
0x53: {  	_ =	shalt  }
0x54: {  	_ =	shalt  }
0x55: {  	_ =	shalt  }
0x56: {  	_ =	shalt  }
0x57: {  	_ =	shalt  }
0x58: {  	_ =	shalt  }
0x59: {  	_ =	shalt  }
0x5a: {  	_ =	shalt  }
0x5b: {  	_ =	shalt  }
0x5c: {  	_ =	shalt  }
0x5d: {  	_ =	shalt  }
0x5e: {  	_ =	shalt  }
0x5f: {  	_ =	shalt  }
0x60: {  	_ =	shalt  }
0x61: {  	_ =	shalt  }
0x62: {  	_ =	shalt  }
0x63: {  	_ =	shalt  }
0x64: {  	_ =	shalt  }
0x65: {  	_ =	shalt  }
0x66: {  	_ =	shalt  }
0x67: {  	_ =	shalt  }
0x68: {  	_ =	shalt  }
0x69: {  	_ =	shalt  }
0x6a: {  	_ =	shalt  }
0x6b: {  	_ =	shalt  }
0x6c: {  	_ =	shalt  }
0x6d: {  	_ =	shalt  }
0x6e: {  	_ =	shalt  }
0x6f: {  	_ =	shalt  }
0x70: {  	_ =	shalt  }
0x71: {  	_ =	shalt  }
0x72: {  	_ =	shalt  }
0x73: {  	_ =	shalt  }
0x74: {  	_ =	shalt  }
0x75: {  	_ =	shalt  }
0x76: {  	_ =	shalt  }
0x77: {  	_ =	shalt  }
0x78: {  	_ =	shalt  }
0x79: {  	_ =	shalt  }
0x7a: {  	_ =	shalt  }
0x7b: {  	_ =	shalt  }
0x7c: {  	_ =	shalt  }
0x7d: {  	_ =	shalt  }
0x7e: {  	_ =	shalt  }
0x7f: {  	_ =	shalt  }
0x80: {  	_ =	shalt  }
0x81: {  	_ =	shalt  }
0x82: {  	_ =	shalt  }
0x83: {  	_ =	shalt  }
0x84: {  	_ =	shalt  }
0x85: {  	_ =	shalt  }
0x86: {  	_ =	shalt  }
0x87: {  	_ =	shalt  }
.Lfunc_end0:
.L_simem_size_0:
called_computation_lowered:
.L_overlay_start_0:
0x88: {  	s2 =	sld [smem:$0x3FD9]  }
0x89: {  	s3 =	sld [smem:$0x3FFE];
	_ =	sdelay $0x1  }
0x8a: {  	s1 =	srdreg.scid  }
0x8b: {  	s0 =	sand.u32 $0x1, s1  }
0x8c: {  	s17 =	sshll.u32 s0, $0xA;
	s2 =	sadd.s32 s3, s2  }
0x8d: {  	s2 =	sadd.s32 s2, s17  }
0x8e: {  	[smem:$0x3FC3] =	sst s2  }
0x8f: {  	_ = 	snop  }
0x90: {  	s2 =	sld [smem:$0x3FC9]  }
0x91: {  	s18 =	sld [smem:$0x3FD0];
	(tm) =	ssettm $0x1  }
0x92: {  	s4 =	sld [smem:$0x3FFB];
	_ =	sdelay $0x3  }
0x93: {  	_ =	strace s4  }
0x94: {  	s4 =	sld [smem:$0x3FFC];
	_ =	sdelay $0x3  }
0x95: {  	_ =	strace s4  }
0x96: {  	s4 =	sld [smem:$0x3FFD];
	_ =	sdelay $0x3  }
0x97: {  	_ =	strace s4  }
0x98: {  	_ =	strace $0x8FFFFFFF  }
0x99: {  	s19 =	sld [smem:$0x3FDB];
	_ =	sdelay $0x1  }
0x9a: {  	s5 =	simm.s32 $_scs_section_size  }
0x9b: {  	s6 =	simm.s32 $_size__tile_overlayer_lowered;
	s7 =	simm.s32 $_tile_overlayer_lowered  }
0x9c: {  	s22 =	simm.s32 $0x1BFF;
	s21 =	sshll.u32 s7, $0x1;
	s4 =	sadd.s32 s5, s19  }
0x9d: {  	s8 =	simm.s32 $0x0;
	s20 =	sshll.u32 s6, $0x1;
	s6 =	sadd.s32 s21, s4  }
0x9e: {  	[timem:s8], [sflag:s22] =	dma.local [hbm:s6], s20  }
0x9f: {  	_ =	swait.ge [sflag:s22], s20  }
0xa0: {  	s5 =	ssub.s32 $0x0, s20;
	[sflag:s22] =	ssyncset.done $0x0  }
0xa1: {  	[sflag:s22] =	ssyncadd.s32 s5;
	_ =	sdelay $0x1  }
0xa2: {  	s23 =	simm.s32 $0x1B8B  }
0xa3: {  	_ =	swait.ge [sflag:s23], $0x1  }
0xa4: {  	[sflag:s23] =	ssyncset.done $0x0  }
0xa5: {  	s25 =	simm.s32 $0x1B8E;
	s24 =	sld [smem:$0x3FFE];
	[sflag:s23] =	ssyncadd.s32 $0xFFFFFFFF  }
0xa6: {  	s26 =	simm.s32 $execute0_lowered;
	[smem:$0x3FD2] =	sst s25  }
0xa7: {  	s6 =	sshll.u32 s26, $0x1;
	_ =	strace $0x80000046;
	[dreg:$0x1] =	wrdreg $0xFFFFFFFF  }
0xa8: {  	s28 =	simm.s32 $_size_execute0_lowered;
	s4 =	sadd.s32 s4, s6;
	[dreg:$0x0] =	wrdreg $0x0  }
0xa9: {  	s6 =	sshll.u32 s28, $0x1;
	[dreg:$0x2] =	wrdreg s4  }
0xaa: {  	[dreg:$0x3] =	wrdreg s6  }
0xab: {  	[dreg:$0x4] =	wrdreg $0xC0  }
0xac: {  	_ =	task [dreg:s8], $0x5FFFF  }
0xad: {  	[dreg:$0x1] =	wrdreg $0xFFFFFFFF  }
0xae: {  	[dreg:$0x0] =	wrdreg $0x60  }
0xaf: {  	[dreg:$0x2] =	wrdreg s18  }
0xb0: {  	[dreg:$0x3] =	wrdreg s24  }
0xb1: {  	[dreg:$0x4] =	wrdreg s2  }
0xb2: {  	[dreg:$0x5] =	wrdreg $0x9  }
0xb3: {  	_ =	task.clear_ibuf [dreg:s8], $0x6FFFF;
	_ =	strace $0x90000046  }
0xb4: {  	s29 =	simm.s32 $0x9;
	_ =	strace $0x80000048  }
0xb5: {  	_ =	swait.ge [sflag:s29], $0x1  }
0xb6: {  	[sflag:s29] =	ssyncadd.s32 $0xFFFFFFFF  }
0xb7: {  	_ =	strace $0x90000048  }
0xb8: {  	_ =	sfence  }
0xb9: {  	s30 =	sld [smem:$0x0];
	_ =	sdelay $0x2  }
0xba: {  	s31 =	sshll.u32 s1, $0xD;
	s1 =	sshrl.u32 s1, $0x2  }
0xbb: {  	s3 =	sand.u32 $0x4000, s31;
	s1 =	sadd.s32 s1, s30  }
0xbc: {  	s0 =	sor.u32 s3, s0;
	s1 =	sshll.u32 s1, $0x11  }
0xbd: {  	s0 =	sor.u32 s1, s0  }
0xbe: {  	s0 =	sadd.s32 $0x8F2B, s0  }
0xbf: {  	[sflag:s0] =	ssyncadd.remote.s32 $0x1  }
0xc0: {  	_ =	sfence.sel $0xFFFF  }
0xc1: {  	[dreg:$0x0] =	wrdreg $0xFFFFFFFF;
	(pc) =	sbr.abs _section_cstart, $3  }
0xc2: {  	[dreg:$0x1] =	wrdreg $0xFFFFFFFF  }
0xc3: {  	_ =	task.clear_ibuf [dreg:s8], $0x2FFFF;
	_ =	strace $0x9FFFFFFF  }
0xc4: {  	(tm) =	ssettm $0x7FFFFFFF  }
0xc5: {  	_ =	shalt  }
tec
execute0_lowered:
.L_overlay_start_1:
0x0: {  	(tag) =	ssettag $0x1  }
0x1: {  	s0 =	rddreg [dreg:$0x1]  }
0x2: {  	s3 =	rddreg [dreg:$0x2]  }
0x3: {  	s1 =	srdreg.scid;
	s11 =	stileid.u32;
	s4 =	simm.s32 $0x0  }
0x4: {  	s12 =	simm.s32 $0x2;
	s14 =	simm.s32 $0x80;
	s15 =	simm.s32 $0x1180;
	v0 =	vimm.s32 $0xEDCBA987  }
0x5: {  	s16 =	simm.s32 $0x1100;
	s17 =	simm.s32 $0x5180;
	v1 =	vimm.s32 $0x65432100;
	s19 =	simm.s32 $0x17180;
	v0 =	vunpack.c.l.s4.s8 v0  }
0x6: {  	v3 =	vimm.s32 $0xDCBA9876;
	s20 =	simm.s32 $0x17980;
	s21 =	simm.s32 $0x18180;
	s28 =	simm.s32 $0x1B180;
	v1 =	vunpack.c.l.s4.s8 v1  }
0x7: {  	v4 =	vimm.s32 $0x54321000;
	v5 =	vimm.s32 $0xBA987654;
	s29 =	simm.s32 $0x1B980;
	s30 =	simm.s32 $0x1C180;
	s31 =	simm.s32 $0x1C980;
	v2 =	vunpack.c.0.s8.s32 v0  }
0x8: {  	vm0 =	vmmov $0x3;
	vm2 =	vcmask $0x3F30;
	s1 =	sand.u32 $0x1, s1;
	s2 =	sshll.u32 s11, $0x1;
	[smem:$0x7FF] =	sst s4;
	v1 =	vunpack.c.0.s8.s32 v1  }
0x9: {  	vm1 =	vmmov $0xf;
	s5 =	sadd.s32 $0xC00, s0;
	s7 =	sshll.u32 s11, $0xC;
	s25 =	sshll.u32 s11, $0xA;
	v3 =	vunpack.c.l.s4.s8 v3;
	v2 =	vand.u32 $0xF, v2  }
0xa: {  	s2 =	sor.u32 s1, s2;
	_ =	strace $0x80000047;
	s8 =	ssub.s32 $0x2, s1;
	v1 =	vcombine.low v1, v2;
	v2 =	vunpack.c.l.s4.s8 v4;
	v4 =	vimm.s32 $0xE40000  }
0xb: {  	vm3 =	vmmov $0xffff;
	s22 =	sand.u32 $0x8000, s7;
	s1 =	sshll.u32 s1, $0x9;
	s7 =	sadd.s32 $0x200, s3;
	v3 =	vunpack.c.0.s8.s32 v3;
	v4 =	vunpack.c.l.s2.s4 v4  }
0xc: {  	v5 =	vunpack.c.l.s4.s8 v5;
	s6 =	smul.u32 $0x3000, s2;
	s23 =	sshrl.u32 s8, $0x1;
	s24 =	sshll.u32 s2, $0x7;
	v6 =	vunpack.c.0.s8.s32 v2;
	v2 =	vimm.s32 $0x32100000  }
0xd: {  	s2 =	sshll.u32 s2, $0xB;
	s1 =	sor.u32 s1, s25;
	s13 =	ssub.s32 $0x0, s24;
	v3 =	vand.u32 $0xF, v3;
	v7 =	vunpack.c.l.s4.s8 v2;
	v4 =	vunpack.c.l.s4.s8 v4  }
0xe: {  	v5 =	vunpack.c.0.s8.s32 v5;
	s25 =	simm.s32 $0x1A180;
	s10 =	ssub.s32 s8, s23;
	s2 =	sand.u32 $0x7800, s2;
	v0 =	vmov s13;
	v3 =	vcombine.low v6, v3  }
0xf: {  	s26 =	sshrl.u32 s1, $0x2;
	s23 =	simm.s32 $0x19180;
	s24 =	simm.s32 $0x19980;
	v6 =	vunpack.c.0.s8.s32 v7;
	v7 =	vimm.s32 $0x7060504;
	v8 =	vunpack.c.0.s8.s32 v4  }
0x10: {  	s9 =	sadd.s32 s6, s0;
	s0 =	sadd.s32 s22, s0;
	s6 =	sadd.s32 $0x100, s3;
	v2 =	vlaneseq.u32;
	v4 =	vand.u32 $0xF, v5;
	v5 =	vunpack.c.0.s8.s32 v7  }
0x11: {  	s10 =	smax.u32 s10, $0x1;
	s11 =	sadd.s32 $0x100, s26;
	s22 =	simm.s32 $0x18980;
	v9 =	vor.u32 $0x8, v2;
	v4 =	vcombine.low v6, v4;
	v6 =	vand.u32 $0x3, v8  }
0x12: {  	s26 =	simm.s32 $0x1A980;
	s0 =	sadd.s32 s2, s0;
	s8 =	sadd.s32 $0x10E00, s9;
	v7 =	vand.u32 $0x7, v2;
	v8 =	vshrl.u32 v2, $0x3;
	v5 =	vsel vm2, v5, v6  }
0x13: {  	s2 =	simm.s32 $0x0;
	s9 =	sadd.s32 $0x70E00, s0;
	s0 =	simm.s32 $0x1;
	vm2 =	vmmov $0xff;
	v6 =	vmul.u32 $0x80, v2;
	v8 =	vmul.u32 $0x8, v8  }
.LBB2_1:
0x14: {  	[tilespmem:s4], [sflag:$0x2] =	stream.linear.gather [hbm4b:s5+s4], $0x80, $0x38;
	[tilespmem:$0x1D180] =	vst v63  }
0x15: {  	_ =	swait.ge [sflag:s12], $0x80  }
0x16: {  	[sflag:s12] =	ssyncset.done $0x0  }
0x17: {  	[sflag:s12] =	ssyncadd.s32 $0xFFFFFF80  }
0x18: {  	s13 =	simm.s32 $0x100;
	s1 =	rddreg [dreg:$0x0]  }
0x19: {  	[tilespmem:s13], [sflag:$0x2] =	stream.linear.gather [hbm4b:s1+s4], $0x1000, $0x38;
	[tilespmem:$0x1D180] =	vst v63  }
0x1a: {  	_ =	swait.ge [sflag:s12], $0x1000  }
0x1b: {  	[sflag:s12] =	ssyncset.done $0x0  }
0x1c: {  	[sflag:s12] =	ssyncadd.s32 $0xFFFFF000  }
0x1d: {  	v10 =	vld [tilespmem:$0x0];
	_ =	sdelay $0x4  }
0x1e: {  	v10 =	vcvt.s32.f32 v10;
	_ =	sdelay $0x1  }
0x1f: {  	[tilespmem:$0x80] =	vst v10  }
0x20: {  	v11 =	vld.idx.msk [tilespmem:v1+s14+$0x0], $0xffff;
	_ =	sdelay $0x3  }
0x21: {  	vm4 =	veq.s32 v2, $0x0  }
0x22: {  	v11 =	vsel vm4, $0x0, v11  }
0x23: {  	v11 =	vadd.f32 v10, v11;
	_ =	sdelay $0x1  }
0x24: {  	[tilespmem:$0x80] =	vst v11  }
0x25: {  	v12 =	vld.idx.msk [tilespmem:v3+s14+$0x0], $0xffff;
	_ =	sdelay $0x4  }
0x26: {  	v12 =	vsel vm0, $0x0, v12  }
0x27: {  	v11 =	vadd.f32 v12, v11;
	_ =	sdelay $0x1  }
0x28: {  	[tilespmem:$0x80] =	vst v11  }
0x29: {  	v62 =	vld.idx.msk [tilespmem:v4+s14+$0x0], $0xffff;
	_ =	sdelay $0x4  }
0x2a: {  	v12 =	vsel vm1, $0x0, v62  }
0x2b: {  	v11 =	vadd.f32 v12, v11;
	_ =	sdelay $0x1  }
0x2c: {  	[tilespmem:$0x80] =	vst v11  }
0x2d: {  	v63 =	vld.idx.msk [tilespmem:v5+s14+$0x0], $0xffff;
	_ =	sdelay $0x4  }
0x2e: {  	v12 =	vsel vm2, $0x0, v63  }
0x2f: {  	v11 =	vadd.f32 v12, v11;
	_ =	sdelay $0x1  }
0x30: {  	v10 =	vsub.f32 v11, v10;
	_ =	sdelay $0x1  }
0x31: {  	s1 =	smov.u32 s11;
	s13 =	simm.s32 $0x0;
	[tilespmem:$0x80] =	vst v10  }
.LBB2_2:
0x32: {  	v10 =	vld [tilespmem:s1+$0x0];
	_ =	sdelay $0x4  }
0x33: {  	v11 =	vshra.s32 v10, $0xC;
	_ =	sdelay $0x4  }
0x34: {  	v11 =	vld.idx.msk [tilespmem:v11+s14+$0x0], $0xffff;
	_ =	sdelay $0x1  }
0x35: {  	v12 =	vmov s13  }
0x36: {  	v12 =	vshll.u32 v12, $0x7  }
0x37: {  	p0 =	sne.s32 s13, $0x70;
	v12 =	vor.u32 v6, v12  }
.Ltmp0:
0x38: {  	v11 =	vtrunc.f32 v11;
	(pc) =	sbr.rel @p0 .LBB2_2-.Ltmp0, $4  }
0x39: {  	v11 =	vcvt.f32.s32 v11  }
0x3a: {  	v10 =	vand.u32 $0xFFF, v10  }
0x3b: {  	v10 =	vadd.s32 v11, v10  }
0x3c: {  	s1 =	sadd.s32 $0x10, s1;
	s13 =	sadd.s32 $0x10, s13;
	[tilespmem:v12+s15+$0x0] =	vst.idx.msk $0xffff, v10  }
0x3d: {  	s1 =	simm.s32 $0x0;
	s13 =	simm.s32 $0x120  }
.LBB2_4:
0x3e: {  	v10 =	vld [tilespmem:s13+$0xFFFFFFE0];
	_ =	sdelay $0x4  }
0x3f: {  	v11 =	vshra.s32 v10, $0xC;
	_ =	sdelay $0x4  }
0x40: {  	v11 =	vld.idx.msk [tilespmem:v11+s14+$0x0], $0xffff;
	_ =	sdelay $0x4  }
0x41: {  	v11 =	vtrunc.f32 v11  }
0x42: {  	v10 =	vand.u32 $0xFFF, v10;
	v11 =	vcvt.f32.s32 v11  }
0x43: {  	v10 =	vadd.s32 v0, v10  }
0x44: {  	v10 =	vadd.s32 v11, v10  }
0x45: {  	vm4 =	vgt.s32 v10, $0x0  }
0x46: {  	vm5 =	vlt.u32 v10, $0x80;
	v10 =	vnsel vm4, $0x0, v10  }
0x47: {  	v10 =	vmin.u32 v10, $0x7F;
	_ =	sdelay $0x2  }
0x48: {  	v11 =	vor.u32 s1, v2  }
0x49: {  	v11 =	vand.u32 $0x7CF, v11  }
0x4a: {  	[tilespmem:v10+s16+$0x0] =	vst.idx.msk vm5, v11  }
0x4b: {  	v10 =	vld [tilespmem:s13+$0xFFFFFFF0];
	_ =	sdelay $0x4  }
0x4c: {  	v11 =	vshra.s32 v10, $0xC;
	_ =	sdelay $0x4  }
0x4d: {  	v11 =	vld.idx.msk [tilespmem:v11+s14+$0x0], $0xffff;
	_ =	sdelay $0x4  }
0x4e: {  	v11 =	vtrunc.f32 v11  }
0x4f: {  	v10 =	vand.u32 $0xFFF, v10;
	v11 =	vcvt.f32.s32 v11  }
0x50: {  	v10 =	vadd.s32 v0, v10  }
0x51: {  	v10 =	vadd.s32 v11, v10  }
0x52: {  	vm4 =	vgt.s32 v10, $0x0  }
0x53: {  	vm5 =	vlt.u32 v10, $0x80;
	v10 =	vnsel vm4, $0x0, v10  }
0x54: {  	v10 =	vmin.u32 v10, $0x7F;
	_ =	sdelay $0x1  }
0x55: {  	s18 =	sadd.s32 $0x10, s1  }
0x56: {  	v11 =	vor.u32 s18, v2  }
0x57: {  	v11 =	vand.u32 $0x7DF, v11  }
0x58: {  	[tilespmem:v10+s16+$0x0] =	vst.idx.msk vm5, v11  }
0x59: {  	v10 =	vld [tilespmem:s13+$0x0];
	_ =	sdelay $0x4  }
0x5a: {  	v11 =	vshra.s32 v10, $0xC;
	_ =	sdelay $0x4  }
0x5b: {  	v11 =	vld.idx.msk [tilespmem:v11+s14+$0x0], $0xffff;
	_ =	sdelay $0x4  }
0x5c: {  	v11 =	vtrunc.f32 v11  }
0x5d: {  	v10 =	vand.u32 $0xFFF, v10;
	v11 =	vcvt.f32.s32 v11  }
0x5e: {  	v10 =	vadd.s32 v0, v10  }
0x5f: {  	v10 =	vadd.s32 v11, v10  }
0x60: {  	vm4 =	vgt.s32 v10, $0x0  }
0x61: {  	vm5 =	vlt.u32 v10, $0x80;
	v10 =	vnsel vm4, $0x0, v10  }
0x62: {  	v10 =	vmin.u32 v10, $0x7F;
	_ =	sdelay $0x1  }
0x63: {  	s18 =	sadd.s32 $0x20, s1  }
0x64: {  	v11 =	vor.u32 s18, v2  }
0x65: {  	v11 =	vand.u32 $0x7EF, v11  }
0x66: {  	[tilespmem:v10+s16+$0x0] =	vst.idx.msk vm5, v11  }
0x67: {  	v10 =	vld [tilespmem:s13+$0x10];
	_ =	sdelay $0x4  }
0x68: {  	v11 =	vshra.s32 v10, $0xC;
	_ =	sdelay $0x4  }
0x69: {  	v11 =	vld.idx.msk [tilespmem:v11+s14+$0x0], $0xffff;
	_ =	sdelay $0x4  }
0x6a: {  	v11 =	vtrunc.f32 v11  }
0x6b: {  	v10 =	vand.u32 $0xFFF, v10;
	v11 =	vcvt.f32.s32 v11  }
0x6c: {  	v10 =	vadd.s32 v0, v10  }
0x6d: {  	v10 =	vadd.s32 v11, v10  }
0x6e: {  	vm4 =	vgt.s32 v10, $0x0  }
0x6f: {  	vm5 =	vlt.u32 v10, $0x80;
	v10 =	vnsel vm4, $0x0, v10  }
0x70: {  	p0 =	sne.s32 s1, $0xFC0;
	v10 =	vmin.u32 v10, $0x7F  }
.Ltmp1:
0x71: {  	_ = 	snop;
	(pc) =	sbr.rel @p0 .LBB2_4-.Ltmp1, $4  }
0x72: {  	s18 =	sadd.s32 $0x30, s1  }
0x73: {  	v11 =	vor.u32 s18, v2  }
0x74: {  	v11 =	vand.u32 $0x7FF, v11  }
0x75: {  	s1 =	sadd.s32 $0x40, s1;
	s13 =	sadd.s32 $0x40, s13;
	[tilespmem:v10+s16+$0x0] =	vst.idx.msk vm5, v11  }
0x76: {  	v10 =	vld [tilespmem:$0x1100];
	_ =	sdelay $0x4  }
0x77: {  	v11 =	vshrl.u32 v10, $0x3  }
0x78: {  	v11 =	vmul.u32 $0x30, v11  }
0x79: {  	v10 =	vand.u32 $0x7, v10  }
0x7a: {  	v10 =	vor.u32 v10, v11  }
0x7b: {  	v11 =	vperm.xlane v10, v7;
	_ =	sdelay $0x1  }
0x7c: {  	v11 =	vadd.s32 v8, v11;
	_ =	sdelay $0x3  }
0x7d: {  	v10 =	vperm.xlane v10, v9  }
0x7e: {  	[tilespmem:s17], [sflag:$0x1] =	stream.indirect_vreg.gather [hbm4b:s3+s4], $0x80, v11, vm3, $0xb8;
	[tilespmem:$0x1D180] =	vst v63  }
0x7f: {  	s1 =	simm.s32 $0x5980;
	v10 =	vadd.s32 v8, v10  }
0x80: {  	[tilespmem:s1], [sflag:$0x1] =	stream.indirect_vreg.gather [hbm4b:s6+s4], $0x80, v11, vm3, $0xb8;
	[tilespmem:$0x1D180] =	vst v63  }
0x81: {  	s13 =	simm.s32 $0x6180  }
0x82: {  	[tilespmem:s13], [sflag:$0x1] =	stream.indirect_vreg.gather [hbm4b:s7+s4], $0x80, v11, vm3, $0xb8;
	[tilespmem:$0x1D180] =	vst v63  }
0x83: {  	s18 =	simm.s32 $0x6980  }
0x84: {  	[tilespmem:s18], [sflag:$0x1] =	stream.indirect_vreg.gather [hbm4b:s3+s4], $0x80, v10, vm3, $0xb8;
	[tilespmem:$0x1D180] =	vst v63  }
0x85: {  	s13 =	simm.s32 $0x7180  }
0x86: {  	[tilespmem:s13], [sflag:$0x1] =	stream.indirect_vreg.gather [hbm4b:s6+s4], $0x80, v10, vm3, $0xb8;
	[tilespmem:$0x1D180] =	vst v63  }
0x87: {  	s18 =	simm.s32 $0x7980  }
0x88: {  	[tilespmem:s18], [sflag:$0x1] =	stream.indirect_vreg.gather [hbm4b:s7+s4], $0x80, v10, vm3, $0xb8;
	[tilespmem:$0x1D180] =	vst v63  }
0x89: {  	v10 =	vld [tilespmem:$0x1110];
	_ =	sdelay $0x4  }
0x8a: {  	v11 =	vshrl.u32 v10, $0x3  }
0x8b: {  	v11 =	vmul.u32 $0x30, v11  }
0x8c: {  	v10 =	vand.u32 $0x7, v10  }
0x8d: {  	v10 =	vor.u32 v10, v11  }
0x8e: {  	v11 =	vperm.xlane v10, v7;
	_ =	sdelay $0x1  }
0x8f: {  	v11 =	vadd.s32 v8, v11;
	_ =	sdelay $0x3  }
0x90: {  	s13 =	simm.s32 $0x8180;
	v10 =	vperm.xlane v10, v9  }
0x91: {  	[tilespmem:s13], [sflag:$0x1] =	stream.indirect_vreg.gather [hbm4b:s3+s4], $0x80, v11, vm3, $0xb8;
	[tilespmem:$0x1D180] =	vst v63  }
0x92: {  	s18 =	simm.s32 $0x8980;
	v10 =	vadd.s32 v8, v10  }
0x93: {  	[tilespmem:s18], [sflag:$0x1] =	stream.indirect_vreg.gather [hbm4b:s6+s4], $0x80, v11, vm3, $0xb8;
	[tilespmem:$0x1D180] =	vst v63  }
0x94: {  	s13 =	simm.s32 $0x9180  }
0x95: {  	[tilespmem:s13], [sflag:$0x1] =	stream.indirect_vreg.gather [hbm4b:s7+s4], $0x80, v11, vm3, $0xb8;
	[tilespmem:$0x1D180] =	vst v63  }
0x96: {  	s18 =	simm.s32 $0x9980  }
0x97: {  	[tilespmem:s18], [sflag:$0x1] =	stream.indirect_vreg.gather [hbm4b:s3+s4], $0x80, v10, vm3, $0xb8;
	[tilespmem:$0x1D180] =	vst v63  }
0x98: {  	s13 =	simm.s32 $0xA180  }
0x99: {  	[tilespmem:s13], [sflag:$0x1] =	stream.indirect_vreg.gather [hbm4b:s6+s4], $0x80, v10, vm3, $0xb8;
	[tilespmem:$0x1D180] =	vst v63  }
0x9a: {  	s18 =	simm.s32 $0xA980  }
0x9b: {  	[tilespmem:s18], [sflag:$0x1] =	stream.indirect_vreg.gather [hbm4b:s7+s4], $0x80, v10, vm3, $0xb8;
	[tilespmem:$0x1D180] =	vst v63  }
0x9c: {  	v10 =	vld [tilespmem:$0x1120];
	_ =	sdelay $0x4  }
0x9d: {  	v11 =	vshrl.u32 v10, $0x3  }
0x9e: {  	v11 =	vmul.u32 $0x30, v11  }
0x9f: {  	v10 =	vand.u32 $0x7, v10  }
0xa0: {  	v10 =	vor.u32 v10, v11  }
0xa1: {  	v11 =	vperm.xlane v10, v7;
	_ =	sdelay $0x1  }
0xa2: {  	v11 =	vadd.s32 v8, v11;
	_ =	sdelay $0x3  }
0xa3: {  	s13 =	simm.s32 $0xB180;
	v10 =	vperm.xlane v10, v9  }
0xa4: {  	[tilespmem:s13], [sflag:$0x1] =	stream.indirect_vreg.gather [hbm4b:s3+s4], $0x80, v11, vm3, $0xb8;
	[tilespmem:$0x1D180] =	vst v63  }
0xa5: {  	s18 =	simm.s32 $0xB980;
	v10 =	vadd.s32 v8, v10  }
0xa6: {  	[tilespmem:s18], [sflag:$0x1] =	stream.indirect_vreg.gather [hbm4b:s6+s4], $0x80, v11, vm3, $0xb8;
	[tilespmem:$0x1D180] =	vst v63  }
0xa7: {  	s13 =	simm.s32 $0xC180  }
0xa8: {  	[tilespmem:s13], [sflag:$0x1] =	stream.indirect_vreg.gather [hbm4b:s7+s4], $0x80, v11, vm3, $0xb8;
	[tilespmem:$0x1D180] =	vst v63  }
0xa9: {  	s18 =	simm.s32 $0xC980  }
0xaa: {  	[tilespmem:s18], [sflag:$0x1] =	stream.indirect_vreg.gather [hbm4b:s3+s4], $0x80, v10, vm3, $0xb8;
	[tilespmem:$0x1D180] =	vst v63  }
0xab: {  	s13 =	simm.s32 $0xD180  }
0xac: {  	[tilespmem:s13], [sflag:$0x1] =	stream.indirect_vreg.gather [hbm4b:s6+s4], $0x80, v10, vm3, $0xb8;
	[tilespmem:$0x1D180] =	vst v63  }
0xad: {  	s18 =	simm.s32 $0xD980  }
0xae: {  	[tilespmem:s18], [sflag:$0x1] =	stream.indirect_vreg.gather [hbm4b:s7+s4], $0x80, v10, vm3, $0xb8;
	[tilespmem:$0x1D180] =	vst v63  }
0xaf: {  	v10 =	vld [tilespmem:$0x1130];
	_ =	sdelay $0x4  }
0xb0: {  	v11 =	vshrl.u32 v10, $0x3  }
0xb1: {  	v11 =	vmul.u32 $0x30, v11  }
0xb2: {  	v10 =	vand.u32 $0x7, v10  }
0xb3: {  	v10 =	vor.u32 v10, v11  }
0xb4: {  	v11 =	vperm.xlane v10, v7;
	_ =	sdelay $0x1  }
0xb5: {  	v11 =	vadd.s32 v8, v11;
	_ =	sdelay $0x3  }
0xb6: {  	s13 =	simm.s32 $0xE180;
	v10 =	vperm.xlane v10, v9  }
0xb7: {  	[tilespmem:s13], [sflag:$0x1] =	stream.indirect_vreg.gather [hbm4b:s3+s4], $0x80, v11, vm3, $0xb8;
	[tilespmem:$0x1D180] =	vst v63  }
0xb8: {  	s18 =	simm.s32 $0xE980;
	v10 =	vadd.s32 v8, v10  }
0xb9: {  	[tilespmem:s18], [sflag:$0x1] =	stream.indirect_vreg.gather [hbm4b:s6+s4], $0x80, v11, vm3, $0xb8;
	[tilespmem:$0x1D180] =	vst v63  }
0xba: {  	s13 =	simm.s32 $0xF180  }
0xbb: {  	[tilespmem:s13], [sflag:$0x1] =	stream.indirect_vreg.gather [hbm4b:s7+s4], $0x80, v11, vm3, $0xb8;
	[tilespmem:$0x1D180] =	vst v63  }
0xbc: {  	s18 =	simm.s32 $0xF980  }
0xbd: {  	[tilespmem:s18], [sflag:$0x1] =	stream.indirect_vreg.gather [hbm4b:s3+s4], $0x80, v10, vm3, $0xb8;
	[tilespmem:$0x1D180] =	vst v63  }
0xbe: {  	s13 =	simm.s32 $0x10180  }
0xbf: {  	[tilespmem:s13], [sflag:$0x1] =	stream.indirect_vreg.gather [hbm4b:s6+s4], $0x80, v10, vm3, $0xb8;
	[tilespmem:$0x1D180] =	vst v63  }
0xc0: {  	s18 =	simm.s32 $0x10980  }
0xc1: {  	[tilespmem:s18], [sflag:$0x1] =	stream.indirect_vreg.gather [hbm4b:s7+s4], $0x80, v10, vm3, $0xb8;
	[tilespmem:$0x1D180] =	vst v63  }
0xc2: {  	v10 =	vld [tilespmem:$0x1140];
	_ =	sdelay $0x4  }
0xc3: {  	v11 =	vshrl.u32 v10, $0x3  }
0xc4: {  	v11 =	vmul.u32 $0x30, v11  }
0xc5: {  	v10 =	vand.u32 $0x7, v10  }
0xc6: {  	v10 =	vor.u32 v10, v11  }
0xc7: {  	v11 =	vperm.xlane v10, v7;
	_ =	sdelay $0x1  }
0xc8: {  	v11 =	vadd.s32 v8, v11;
	_ =	sdelay $0x3  }
0xc9: {  	s13 =	simm.s32 $0x11180;
	v10 =	vperm.xlane v10, v9  }
0xca: {  	[tilespmem:s13], [sflag:$0x1] =	stream.indirect_vreg.gather [hbm4b:s3+s4], $0x80, v11, vm3, $0xb8;
	[tilespmem:$0x1D180] =	vst v63  }
0xcb: {  	s18 =	simm.s32 $0x11980;
	v10 =	vadd.s32 v8, v10  }
0xcc: {  	[tilespmem:s18], [sflag:$0x1] =	stream.indirect_vreg.gather [hbm4b:s6+s4], $0x80, v11, vm3, $0xb8;
	[tilespmem:$0x1D180] =	vst v63  }
0xcd: {  	s13 =	simm.s32 $0x12180  }
0xce: {  	[tilespmem:s13], [sflag:$0x1] =	stream.indirect_vreg.gather [hbm4b:s7+s4], $0x80, v11, vm3, $0xb8;
	[tilespmem:$0x1D180] =	vst v63  }
0xcf: {  	s18 =	simm.s32 $0x12980  }
0xd0: {  	[tilespmem:s18], [sflag:$0x1] =	stream.indirect_vreg.gather [hbm4b:s3+s4], $0x80, v10, vm3, $0xb8;
	[tilespmem:$0x1D180] =	vst v63  }
0xd1: {  	s13 =	simm.s32 $0x13180  }
0xd2: {  	[tilespmem:s13], [sflag:$0x1] =	stream.indirect_vreg.gather [hbm4b:s6+s4], $0x80, v10, vm3, $0xb8;
	[tilespmem:$0x1D180] =	vst v63  }
0xd3: {  	s18 =	simm.s32 $0x13980  }
0xd4: {  	[tilespmem:s18], [sflag:$0x1] =	stream.indirect_vreg.gather [hbm4b:s7+s4], $0x80, v10, vm3, $0xb8;
	[tilespmem:$0x1D180] =	vst v63  }
0xd5: {  	v10 =	vld [tilespmem:$0x1150];
	_ =	sdelay $0x4  }
0xd6: {  	v11 =	vshrl.u32 v10, $0x3  }
0xd7: {  	v11 =	vmul.u32 $0x30, v11  }
0xd8: {  	v10 =	vand.u32 $0x7, v10  }
0xd9: {  	v10 =	vor.u32 v10, v11  }
0xda: {  	v11 =	vperm.xlane v10, v7;
	_ =	sdelay $0x1  }
0xdb: {  	v11 =	vadd.s32 v8, v11;
	_ =	sdelay $0x3  }
0xdc: {  	s13 =	simm.s32 $0x14180;
	v10 =	vperm.xlane v10, v9  }
0xdd: {  	[tilespmem:s13], [sflag:$0x1] =	stream.indirect_vreg.gather [hbm4b:s3+s4], $0x80, v11, vm3, $0xb8;
	[tilespmem:$0x1D180] =	vst v63  }
0xde: {  	s18 =	simm.s32 $0x14980;
	v10 =	vadd.s32 v8, v10  }
0xdf: {  	[tilespmem:s18], [sflag:$0x1] =	stream.indirect_vreg.gather [hbm4b:s6+s4], $0x80, v11, vm3, $0xb8;
	[tilespmem:$0x1D180] =	vst v63  }
0xe0: {  	s13 =	simm.s32 $0x15180  }
0xe1: {  	[tilespmem:s13], [sflag:$0x1] =	stream.indirect_vreg.gather [hbm4b:s7+s4], $0x80, v11, vm3, $0xb8;
	[tilespmem:$0x1D180] =	vst v63  }
0xe2: {  	s18 =	simm.s32 $0x15980  }
0xe3: {  	[tilespmem:s18], [sflag:$0x1] =	stream.indirect_vreg.gather [hbm4b:s3+s4], $0x80, v10, vm3, $0xb8;
	[tilespmem:$0x1D180] =	vst v63  }
0xe4: {  	s13 =	simm.s32 $0x16180  }
0xe5: {  	[tilespmem:s13], [sflag:$0x1] =	stream.indirect_vreg.gather [hbm4b:s6+s4], $0x80, v10, vm3, $0xb8;
	[tilespmem:$0x1D180] =	vst v63  }
0xe6: {  	s18 =	simm.s32 $0x16980  }
0xe7: {  	[tilespmem:s18], [sflag:$0x1] =	stream.indirect_vreg.gather [hbm4b:s7+s4], $0x80, v10, vm3, $0xb8;
	[tilespmem:$0x1D180] =	vst v63  }
0xe8: {  	v10 =	vld [tilespmem:$0x1160];
	_ =	sdelay $0x4  }
0xe9: {  	v11 =	vshrl.u32 v10, $0x3  }
0xea: {  	v11 =	vmul.u32 $0x30, v11  }
0xeb: {  	v10 =	vand.u32 $0x7, v10  }
0xec: {  	v10 =	vor.u32 v10, v11  }
0xed: {  	v11 =	vperm.xlane v10, v7;
	_ =	sdelay $0x1  }
0xee: {  	v11 =	vadd.s32 v8, v11;
	_ =	sdelay $0x3  }
0xef: {  	v10 =	vperm.xlane v10, v9  }
0xf0: {  	[tilespmem:s19], [sflag:$0x1] =	stream.indirect_vreg.gather [hbm4b:s3+s4], $0x80, v11, vm3, $0xb8;
	[tilespmem:$0x1D180] =	vst v63  }
0xf1: {  	v10 =	vadd.s32 v8, v10  }
0xf2: {  	[tilespmem:s20], [sflag:$0x1] =	stream.indirect_vreg.gather [hbm4b:s6+s4], $0x80, v11, vm3, $0xb8;
	[tilespmem:$0x1D180] =	vst v63  }
0xf3: {  	_ = 	snop  }
0xf4: {  	[tilespmem:s21], [sflag:$0x1] =	stream.indirect_vreg.gather [hbm4b:s7+s4], $0x80, v11, vm3, $0xb8;
	[tilespmem:$0x1D180] =	vst v63  }
0xf5: {  	_ = 	snop  }
0xf6: {  	[tilespmem:s22], [sflag:$0x1] =	stream.indirect_vreg.gather [hbm4b:s3+s4], $0x80, v10, vm3, $0xb8;
	[tilespmem:$0x1D180] =	vst v63  }
0xf7: {  	_ = 	snop  }
0xf8: {  	[tilespmem:s23], [sflag:$0x1] =	stream.indirect_vreg.gather [hbm4b:s6+s4], $0x80, v10, vm3, $0xb8;
	[tilespmem:$0x1D180] =	vst v63  }
0xf9: {  	_ = 	snop  }
0xfa: {  	[tilespmem:s24], [sflag:$0x1] =	stream.indirect_vreg.gather [hbm4b:s7+s4], $0x80, v10, vm3, $0xb8;
	[tilespmem:$0x1D180] =	vst v63  }
0xfb: {  	v10 =	vld [tilespmem:$0x1170];
	_ =	sdelay $0x4  }
0xfc: {  	v11 =	vshrl.u32 v10, $0x3  }
0xfd: {  	v11 =	vmul.u32 $0x30, v11  }
0xfe: {  	v10 =	vand.u32 $0x7, v10  }
0xff: {  	v10 =	vor.u32 v10, v11  }
0x100: {  	v11 =	vperm.xlane v10, v7;
	_ =	sdelay $0x1  }
0x101: {  	v11 =	vadd.s32 v8, v11;
	_ =	sdelay $0x3  }
0x102: {  	v10 =	vperm.xlane v10, v9  }
0x103: {  	[tilespmem:s25], [sflag:$0x1] =	stream.indirect_vreg.gather [hbm4b:s3+s4], $0x80, v11, vm3, $0xb8;
	[tilespmem:$0x1D180] =	vst v63  }
0x104: {  	v10 =	vadd.s32 v8, v10  }
0x105: {  	[tilespmem:s26], [sflag:$0x1] =	stream.indirect_vreg.gather [hbm4b:s6+s4], $0x80, v11, vm3, $0xb8;
	[tilespmem:$0x1D180] =	vst v63  }
0x106: {  	_ = 	snop  }
0x107: {  	[tilespmem:s28], [sflag:$0x1] =	stream.indirect_vreg.gather [hbm4b:s7+s4], $0x80, v11, vm3, $0xb8;
	[tilespmem:$0x1D180] =	vst v63  }
0x108: {  	_ = 	snop  }
0x109: {  	[tilespmem:s29], [sflag:$0x1] =	stream.indirect_vreg.gather [hbm4b:s3+s4], $0x80, v10, vm3, $0xb8;
	[tilespmem:$0x1D180] =	vst v63  }
0x10a: {  	_ = 	snop  }
0x10b: {  	[tilespmem:s30], [sflag:$0x1] =	stream.indirect_vreg.gather [hbm4b:s6+s4], $0x80, v10, vm3, $0xb8;
	[tilespmem:$0x1D180] =	vst v63  }
0x10c: {  	_ = 	snop  }
0x10d: {  	[tilespmem:s31], [sflag:$0x1] =	stream.indirect_vreg.gather [hbm4b:s7+s4], $0x80, v10, vm3, $0xb8;
	[tilespmem:$0x1D180] =	vst v63  }
0x10e: {  	_ =	swait.ge [sflag:s0], $0x18000  }
0x10f: {  	[sflag:s0] =	ssyncset.done $0x0  }
0x110: {  	[sflag:s0] =	ssyncadd.s32 $0xFFFE8000  }
0x111: {  	[hbm4b:s8+s4] =	stream.linear.scatter [tilespmem:s17], [sflag:$0x2], $0x18000, $0x38;
	[tilespmem:$0x1D180] =	vst v63  }
0x112: {  	s2 =	sadd.s32 $0x1, s2;
	_ =	swait.ge [sflag:s12], $0x18000  }
0x113: {  	p0 =	sne.s32 s2, s10;
	[sflag:s12] =	ssyncset.done $0x0  }
.Ltmp2:
0x114: {  	[sflag:s12] =	ssyncadd.s32 $0xFFFE8000;
	(pc) =	sbr.rel @p0 .LBB2_1-.Ltmp2, $4  }
0x115: {  	[hbm4b:s9+s4] =	stream.linear.scatter [tilespmem:s15], [sflag:$0x2], $0x4000, $0x38;
	[tilespmem:$0x1D180] =	vst v63  }
0x116: {  	_ =	swait.ge [sflag:s12], $0x4000  }
0x117: {  	[sflag:s12] =	ssyncset.done $0x0  }
0x118: {  	[sflag:s12] =	ssyncadd.s32 $0xFFFFC000  }
0x119: {  	_ =	sfence.sel $0x180000  }
0x11a: {  	[bflag:$0x0] =	sbarrier.arrive $0xFFFF  }
0x11b: {  	_ =	strace $0x90000047  }
0x11c: {  	s0 =	stileid.u32;
	[bflag:$0x2] =	sbarrier.arrive $0xFFFF  }
0x11d: {  	p0 =	sne.s32 s0, $0x0;
	s0 =	rddreg [dreg:$0x3]  }
0x11e: {  	s0 =	sadd.s32 @!p0 $0x100000, s0  }
0x11f: {  	[sflag:s0] =	ssyncadd.tile.s32 @!p0 $0x1;
	_ =	shalt  }
.Lfunc_end2:
_tile_overlayer_lowered:
.L_overlay_start_2:
0x120: {  	(tag) =	ssettag $0x2  }
0x121: {  	s0 =	rddreg [dreg:$0x0];
	s2 =	stileid.u32  }
0x122: {  	s1 =	rddreg [dreg:$0x1];
	p0 =	sne.s32 s2, $0x0  }
0x123: {  	s3 =	rddreg [dreg:$0x2];
	[bflag:$0x3] =	sbarrier.arrive $0xFFFF;
	s2 =	simm.s32 @!p0 $0x1C02  }
0x124: {  	[timem:s3], [sflag:s2] =	dma.local @!p0 [hbm:s0], s1  }
0x125: {  	s0 =	simm.s32 @!p0 $0x2  }
0x126: {  	_ =	swait.ge @!p0 [sflag:s0], s1  }
0x127: {  	s1 =	ssub.s32 @!p0 $0x0, s1;
	[sflag:s0] =	ssyncset.done @!p0 $0x0  }
0x128: {  	[sflag:s0] =	ssyncadd.s32 @!p0 s1  }
0x129: {  	[bflag:$0x3] =	sbarrier.arrive $0xFFFF  }
0x12a: {  	_ =	shalt  }

</sc_bundles>
